<compile_context>
chip_gen: v7x
topology: tpu7x:2x2x1
jax: 0.10.2.dev20260603
libtpu: 0.0.44.dev20260713+nightly
codegen_flags: <defaults>
</compile_context>

<pallas_src>
import functools

import jax
import jax.numpy as jnp
from jax import lax
from jax.experimental import pallas as pl
from jax.experimental.pallas import tpu as pltpu
from jax.experimental.pallas import tpu_sc as plsc

_B, _L, _V, _D = 1024, 200, 100000, 128
_NC, _NS, _LANES = 2, 16, 16
_NW = _NC * _NS
_ROWS_PER_W = _B // _NW
_CHUNKS = (56, 56, 56, 32)
_NBUF = 4

_mesh = plsc.VectorSubcoreMesh(
    core_axis_name="c", subcore_axis_name="s", num_cores=_NC, num_subcores=_NS
)


@functools.partial(
    pl.kernel,
    out_type=(
        jax.ShapeDtypeStruct((_B, _D), jnp.float32),
        jax.ShapeDtypeStruct((_L, _D), jnp.float32),
    ),
    mesh=_mesh,
    scratch_types=[
        pltpu.VMEM((_ROWS_PER_W * _L,), jnp.int32),
        pltpu.VMEM((_NBUF, _L, _D), jnp.float32),
        pltpu.VMEM((_ROWS_PER_W, _D), jnp.float32),
        pltpu.SemaphoreType.DMA,
        pltpu.SemaphoreType.DMA,
        pltpu.SemaphoreType.DMA,
        pltpu.SemaphoreType.DMA,
    ],
)
def _sc_pool(x_hbm, table_hbm, sums_hbm, xt_hbm, idx_v, rows_v, out_v, *sems):
    wid = lax.axis_index("s") * _NC + lax.axis_index("c")
    base = wid * _ROWS_PER_W

    pltpu.sync_copy(
        x_hbm.at[pl.ds(pl.multiple_of(base * _L, 8), _ROWS_PER_W * _L)], idx_v
    )

    def issue(slot, b):
        off = 0
        for c in _CHUNKS:
            s = pl.multiple_of(b * _L + off, 8)
            pltpu.async_copy(
                table_hbm.at[idx_v.at[pl.ds(s, c)]],
                rows_v.at[slot, pl.ds(off, c)],
                sems[slot],
            )
            off += c

    def wait(slot):
        pltpu.make_async_copy(
            table_hbm.at[pl.ds(0, _L)], rows_v.at[slot], sems[slot]
        ).wait()

    def reduce_store(slot, b):
        def body(j, accs):
            return tuple(
                accs[k] + rows_v[slot, j, pl.ds(k * _LANES, _LANES)]
                for k in range(_D // _LANES)
            )
        accs = lax.fori_loop(
            0, _L, body,
            tuple(jnp.zeros((_LANES,), jnp.float32) for _ in range(_D // _LANES)),
            unroll=4,
        )
        for k in range(_D // _LANES):
            out_v[b, pl.ds(k * _LANES, _LANES)] = accs[k]

    for s in range(_NBUF - 1):
        issue(s, s)

    @pl.loop(0, _ROWS_PER_W, step=_NBUF)
    def _quad(b):
        for q in range(_NBUF):
            n = b + q
            wait(q)

            @pl.when(n + _NBUF - 1 < _ROWS_PER_W)
            def _(q=q, n=n):
                issue((q + _NBUF - 1) % _NBUF, n + _NBUF - 1)

            reduce_store(q, n)

    pltpu.sync_copy(out_v, sums_hbm.at[pl.ds(base, _ROWS_PER_W)])

    @pl.when(wid == _NW - 1)
    def _():
        pltpu.sync_copy(rows_v.at[(_ROWS_PER_W - 1) % _NBUF], xt_hbm)


def _tc_body(sums_ref, xt_ref, ws_ref, bs_ref, wt_ref, bt_ref, hs_ref, ht_ref):
    xs = sums_ref[...] * (1.0 / _L)
    hs = jnp.tanh(
        jnp.dot(xs, ws_ref[...], preferred_element_type=jnp.float32) + bs_ref[...]
    )
    hs_ref[...] = hs[: _B - 1]
    ht_ref[...] = jnp.tanh(
        jnp.dot(xt_ref[...], wt_ref[...], preferred_element_type=jnp.float32)
        + bt_ref[...]
    )


_tc_dense = pl.pallas_call(
    _tc_body,
    out_shape=(
        jax.ShapeDtypeStruct((_B - 1, _D), jnp.float32),
        jax.ShapeDtypeStruct((_L, _D), jnp.float32),
    ),
)


@jax.jit
def kernel(X, mask, emb_table, W_s, b_s, W_t, b_t):
    del mask
    sums, x_t = _sc_pool(X.reshape(-1), emb_table)
    h_s, h_t = _tc_dense(
        sums, x_t, W_s, b_s.reshape(1, _D), W_t, b_t.reshape(1, _D)
    )
    return h_s, h_t

# --- scband reference (transcript-rebuilt; emitter-appended) ---
"""Pipeline reference for scband-stmp-model-7670811591275 (READ-ONLY COPY).

The authoritative reference and input builder live on the scoring server;
editing this copy changes nothing except your own understanding.
"""

import jax, jax.numpy as jnp
import numpy as np

B, L, V, D = 1024, 200, 100000, 128

def setup_inputs(seed: int = 0) -> dict:
    key = jax.random.key(seed)
    ks = jax.random.split(key, 5)
    X = jax.random.randint(ks[0], (B, L), 0, V)
    mask = jnp.ones((B, L), dtype=jnp.float32)
    emb_table = jax.random.uniform(ks[1], (V, D), minval=-1.0, maxval=1.0, dtype=jnp.float32)
    W_s = jax.random.normal(ks[2], (D, D), dtype=jnp.float32) * 0.05
    b_s = jnp.zeros((D,), dtype=jnp.float32)
    W_t = jax.random.normal(ks[3], (D, D), dtype=jnp.float32) * 0.05
    b_t = jnp.zeros((D,), dtype=jnp.float32)
    return {"X": X, "mask": mask, "emb_table": emb_table, "W_s": W_s, "b_s": b_s, "W_t": W_t, "b_t": b_t}

def reference(X, mask, emb_table, W_s, b_s, W_t, b_t):
    # tf.nn.embedding_lookup(self.item_embedding_mtx, X) -> [B, L, D]
    X_embeddings = jnp.take(emb_table, X, axis=0)
    # Literal translation of the original forward's slicing:
    X_s = X_embeddings[:-1]                 # [B-1, L, D]
    x_s = jnp.mean(X_s, axis=1)             # [B-1, D]  (general-interest repr)
    x_t = X_embeddings[-1]                  # [L, D]    (last-item repr)
    # Dense(embedding_size, activation='tanh') layers hs and ht
    h_s = jnp.tanh(x_s @ W_s + b_s)         # [B-1, D]
    h_t = jnp.tanh(x_t @ W_t + b_t)         # [L, D]
    return (h_s, h_t)

if __name__ == "__main__":
    import jax
    _d = setup_inputs()
    print(jax.jit(kernel)(*tuple(_d.values())))

</pallas_src>

<mosaic_0001>
#map = affine_map<(d0, d1) -> (0)>
#map1 = affine_map<(d0, d1) -> (0, 0)>
module attributes {stable_mosaic.version = 14 : i64} {
  func.func @_sc_pool(%arg0: i32, %arg1: i32, %arg2: memref<204800xi32, #tpu.memory_space<hbm>>, %arg3: memref<100000x128xf32, #tpu.memory_space<hbm>>, %arg4: memref<1024x128xf32, #tpu.memory_space<hbm>>, %arg5: memref<200x128xf32, #tpu.memory_space<hbm>>, %arg6: memref<6400xi32, #tpu.memory_space<vmem>>, %arg7: memref<4x200x128xf32, #tpu.memory_space<vmem>>, %arg8: memref<32x128xf32, #tpu.memory_space<vmem>>, %arg9: memref<!tpu.dma_semaphore, #tpu.memory_space<semaphore_mem>>, %arg10: memref<!tpu.dma_semaphore, #tpu.memory_space<semaphore_mem>>, %arg11: memref<!tpu.dma_semaphore, #tpu.memory_space<semaphore_mem>>, %arg12: memref<!tpu.dma_semaphore, #tpu.memory_space<semaphore_mem>>) attributes {dimension_semantics = [#tpu.dimension_semantics<core_parallel>, #tpu.dimension_semantics<subcore_parallel>], iteration_bounds = array<i64: 2, 16>, scalar_prefetch = 0 : i64, scratch_operands = 7 : i64, tpu.core_type = #tpu.core_type<sc_vector_subcore>, window_params = [{transform_indices = #map}, {transform_indices = #map1}, {transform_indices = #map1}, {transform_indices = #map1}]} {
    %mul3A = arith.constant 2 : i32
    %mul3A_0 = arith.muli %arg1, %mul3A : i32
    %add3A = arith.addi %mul3A_0, %arg0 : i32
    %mul3A_1 = arith.constant 32 : i32
    %mul3A_2 = arith.muli %add3A, %mul3A_1 : i32
    %mul3A_3 = arith.constant 200 : i32
    %mul3A_4 = arith.muli %mul3A_2, %mul3A_3 : i32
    %multiple_of3A = tpu.assume_multiple %mul3A_4, 8 : i32
    "tpu.region"() ({
      %run_scoped3A = tpu.sem_alloc : memref<!tpu.dma_semaphore, #tpu.memory_space<semaphore_mem>>
      %dma_start3A_142 = tpu.memref_slice %arg2[%multiple_of3A] : memref<204800xi32, #tpu.memory_space<hbm>> -> memref<6400xi32, #tpu.memory_space<hbm>>
      %dma_start3A_143 = tpu.memref_slice %arg2[%multiple_of3A] : memref<204800xi32, #tpu.memory_space<hbm>> -> memref<6400xi32, #tpu.memory_space<hbm>>
      tpu.enqueue_dma source(%dma_start3A_143 : memref<6400xi32, #tpu.memory_space<hbm>>) target(%arg6 : memref<6400xi32, #tpu.memory_space<vmem>>) target_semaphore(%run_scoped3A : memref<!tpu.dma_semaphore, #tpu.memory_space<semaphore_mem>>)
      %dma_wait3A = tpu.memref_slice %arg2[%multiple_of3A] : memref<204800xi32, #tpu.memory_space<hbm>> -> memref<6400xi32, #tpu.memory_space<hbm>>
      %dma_wait3A_144 = tpu.memref_slice %arg2[%multiple_of3A] : memref<204800xi32, #tpu.memory_space<hbm>> -> memref<6400xi32, #tpu.memory_space<hbm>>
      tpu.wait_dma2 semaphore(%run_scoped3A : memref<!tpu.dma_semaphore, #tpu.memory_space<semaphore_mem>>) src(%dma_wait3A_144 : memref<6400xi32, #tpu.memory_space<hbm>>) dst(%arg6 : memref<6400xi32, #tpu.memory_space<vmem>>)
      tpu.yield
    }) : () -> ()
    %multiple_of3A_5 = arith.constant 0 : i32
    %multiple_of3A_6 = tpu.assume_multiple %multiple_of3A_5, 8 : i32
    %dma_start3A = arith.constant 0 : i32
    %dma_start3A_7 = arith.constant 0 : i32
    %dma_start3A_8 = arith.constant 0 : i32
    %dma_start3A_9 = tpu.memref_slice %arg7[%dma_start3A, %dma_start3A_7, %dma_start3A_8] : memref<4x200x128xf32, #tpu.memory_space<vmem>> -> memref<1x56x128xf32, #tpu.memory_space<vmem>>
    %dma_start3A_10 = tpu.memref_squeeze %dma_start3A_9 : memref<1x56x128xf32, #tpu.memory_space<vmem>> -> memref<56x128xf32, #tpu.memory_space<vmem>>
    %dma_start3A_11 = tpu.memref_slice %arg6[%multiple_of3A_6] : memref<6400xi32, #tpu.memory_space<vmem>> -> memref<56xi32, #tpu.memory_space<vmem>>
    %dma_start3A_12 = arith.constant 0 : i32
    %dma_start3A_13 = arith.constant 0 : i32
    %dma_start3A_14 = tpu.memref_slice %arg3[%dma_start3A_12, %dma_start3A_13] : memref<100000x128xf32, #tpu.memory_space<hbm>> -> memref<100000x128xf32, #tpu.memory_space<hbm>>
    tpu.enqueue_indirect_dma source(%dma_start3A_14 : memref<100000x128xf32, #tpu.memory_space<hbm>>) target(%dma_start3A_10 : memref<56x128xf32, #tpu.memory_space<vmem>>) offsets(%dma_start3A_11 : memref<56xi32, #tpu.memory_space<vmem>>) semaphore(%arg9 : memref<!tpu.dma_semaphore, #tpu.memory_space<semaphore_mem>>)
    %multiple_of3A_15 = arith.constant 56 : i32
    %multiple_of3A_16 = tpu.assume_multiple %multiple_of3A_15, 8 : i32
    %dma_start3A_17 = arith.constant 0 : i32
    %dma_start3A_18 = arith.constant 56 : i32
    %dma_start3A_19 = arith.constant 0 : i32
    %dma_start3A_20 = tpu.memref_slice %arg7[%dma_start3A_17, %dma_start3A_18, %dma_start3A_19] : memref<4x200x128xf32, #tpu.memory_space<vmem>> -> memref<1x56x128xf32, #tpu.memory_space<vmem>>
    %dma_start3A_21 = tpu.memref_squeeze %dma_start3A_20 : memref<1x56x128xf32, #tpu.memory_space<vmem>> -> memref<56x128xf32, #tpu.memory_space<vmem>>
    %dma_start3A_22 = tpu.memref_slice %arg6[%multiple_of3A_16] : memref<6400xi32, #tpu.memory_space<vmem>> -> memref<56xi32, #tpu.memory_space<vmem>>
    %dma_start3A_23 = arith.constant 0 : i32
    %dma_start3A_24 = arith.constant 0 : i32
    %dma_start3A_25 = tpu.memref_slice %arg3[%dma_start3A_23, %dma_start3A_24] : memref<100000x128xf32, #tpu.memory_space<hbm>> -> memref<100000x128xf32, #tpu.memory_space<hbm>>
    tpu.enqueue_indirect_dma source(%dma_start3A_25 : memref<100000x128xf32, #tpu.memory_space<hbm>>) target(%dma_start3A_21 : memref<56x128xf32, #tpu.memory_space<vmem>>) offsets(%dma_start3A_22 : memref<56xi32, #tpu.memory_space<vmem>>) semaphore(%arg9 : memref<!tpu.dma_semaphore, #tpu.memory_space<semaphore_mem>>)
    %multiple_of3A_26 = arith.constant 112 : i32
    %multiple_of3A_27 = tpu.assume_multiple %multiple_of3A_26, 8 : i32
    %dma_start3A_28 = arith.constant 0 : i32
    %dma_start3A_29 = arith.constant 112 : i32
    %dma_start3A_30 = arith.constant 0 : i32
    %dma_start3A_31 = tpu.memref_slice %arg7[%dma_start3A_28, %dma_start3A_29, %dma_start3A_30] : memref<4x200x128xf32, #tpu.memory_space<vmem>> -> memref<1x56x128xf32, #tpu.memory_space<vmem>>
    %dma_start3A_32 = tpu.memref_squeeze %dma_start3A_31 : memref<1x56x128xf32, #tpu.memory_space<vmem>> -> memref<56x128xf32, #tpu.memory_space<vmem>>
    %dma_start3A_33 = tpu.memref_slice %arg6[%multiple_of3A_27] : memref<6400xi32, #tpu.memory_space<vmem>> -> memref<56xi32, #tpu.memory_space<vmem>>
    %dma_start3A_34 = arith.constant 0 : i32
    %dma_start3A_35 = arith.constant 0 : i32
    %dma_start3A_36 = tpu.memref_slice %arg3[%dma_start3A_34, %dma_start3A_35] : memref<100000x128xf32, #tpu.memory_space<hbm>> -> memref<100000x128xf32, #tpu.memory_space<hbm>>
    tpu.enqueue_indirect_dma source(%dma_start3A_36 : memref<100000x128xf32, #tpu.memory_space<hbm>>) target(%dma_start3A_32 : memref<56x128xf32, #tpu.memory_space<vmem>>) offsets(%dma_start3A_33 : memref<56xi32, #tpu.memory_space<vmem>>) semaphore(%arg9 : memref<!tpu.dma_semaphore, #tpu.memory_space<semaphore_mem>>)
    %multiple_of3A_37 = arith.constant 168 : i32
    %multiple_of3A_38 = tpu.assume_multiple %multiple_of3A_37, 8 : i32
    %dma_start3A_39 = arith.constant 0 : i32
    %dma_start3A_40 = arith.constant 168 : i32
    %dma_start3A_41 = arith.constant 0 : i32
    %dma_start3A_42 = tpu.memref_slice %arg7[%dma_start3A_39, %dma_start3A_40, %dma_start3A_41] : memref<4x200x128xf32, #tpu.memory_space<vmem>> -> memref<1x32x128xf32, #tpu.memory_space<vmem>>
    %dma_start3A_43 = tpu.memref_squeeze %dma_start3A_42 : memref<1x32x128xf32, #tpu.memory_space<vmem>> -> memref<32x128xf32, #tpu.memory_space<vmem>>
    %dma_start3A_44 = tpu.memref_slice %arg6[%multiple_of3A_38] : memref<6400xi32, #tpu.memory_space<vmem>> -> memref<32xi32, #tpu.memory_space<vmem>>
    %dma_start3A_45 = arith.constant 0 : i32
    %dma_start3A_46 = arith.constant 0 : i32
    %dma_start3A_47 = tpu.memref_slice %arg3[%dma_start3A_45, %dma_start3A_46] : memref<100000x128xf32, #tpu.memory_space<hbm>> -> memref<100000x128xf32, #tpu.memory_space<hbm>>
    tpu.enqueue_indirect_dma source(%dma_start3A_47 : memref<100000x128xf32, #tpu.memory_space<hbm>>) target(%dma_start3A_43 : memref<32x128xf32, #tpu.memory_space<vmem>>) offsets(%dma_start3A_44 : memref<32xi32, #tpu.memory_space<vmem>>) semaphore(%arg9 : memref<!tpu.dma_semaphore, #tpu.memory_space<semaphore_mem>>)
    %multiple_of3A_48 = arith.constant 200 : i32
    %multiple_of3A_49 = tpu.assume_multiple %multiple_of3A_48, 8 : i32
    %dma_start3A_50 = arith.constant 1 : i32
    %dma_start3A_51 = arith.constant 0 : i32
    %dma_start3A_52 = arith.constant 0 : i32
    %dma_start3A_53 = tpu.memref_slice %arg7[%dma_start3A_50, %dma_start3A_51, %dma_start3A_52] : memref<4x200x128xf32, #tpu.memory_space<vmem>> -> memref<1x56x128xf32, #tpu.memory_space<vmem>>
    %dma_start3A_54 = tpu.memref_squeeze %dma_start3A_53 : memref<1x56x128xf32, #tpu.memory_space<vmem>> -> memref<56x128xf32, #tpu.memory_space<vmem>>
    %dma_start3A_55 = tpu.memref_slice %arg6[%multiple_of3A_49] : memref<6400xi32, #tpu.memory_space<vmem>> -> memref<56xi32, #tpu.memory_space<vmem>>
    %dma_start3A_56 = arith.constant 0 : i32
    %dma_start3A_57 = arith.constant 0 : i32
    %dma_start3A_58 = tpu.memref_slice %arg3[%dma_start3A_56, %dma_start3A_57] : memref<100000x128xf32, #tpu.memory_space<hbm>> -> memref<100000x128xf32, #tpu.memory_space<hbm>>
    tpu.enqueue_indirect_dma source(%dma_start3A_58 : memref<100000x128xf32, #tpu.memory_space<hbm>>) target(%dma_start3A_54 : memref<56x128xf32, #tpu.memory_space<vmem>>) offsets(%dma_start3A_55 : memref<56xi32, #tpu.memory_space<vmem>>) semaphore(%arg10 : memref<!tpu.dma_semaphore, #tpu.memory_space<semaphore_mem>>)
    %multiple_of3A_59 = arith.constant 256 : i32
    %multiple_of3A_60 = tpu.assume_multiple %multiple_of3A_59, 8 : i32
    %dma_start3A_61 = arith.constant 1 : i32
    %dma_start3A_62 = arith.constant 56 : i32
    %dma_start3A_63 = arith.constant 0 : i32
    %dma_start3A_64 = tpu.memref_slice %arg7[%dma_start3A_61, %dma_start3A_62, %dma_start3A_63] : memref<4x200x128xf32, #tpu.memory_space<vmem>> -> memref<1x56x128xf32, #tpu.memory_space<vmem>>
    %dma_start3A_65 = tpu.memref_squeeze %dma_start3A_64 : memref<1x56x128xf32, #tpu.memory_space<vmem>> -> memref<56x128xf32, #tpu.memory_space<vmem>>
    %dma_start3A_66 = tpu.memref_slice %arg6[%multiple_of3A_60] : memref<6400xi32, #tpu.memory_space<vmem>> -> memref<56xi32, #tpu.memory_space<vmem>>
    %dma_start3A_67 = arith.constant 0 : i32
    %dma_start3A_68 = arith.constant 0 : i32
    %dma_start3A_69 = tpu.memref_slice %arg3[%dma_start3A_67, %dma_start3A_68] : memref<100000x128xf32, #tpu.memory_space<hbm>> -> memref<100000x128xf32, #tpu.memory_space<hbm>>
    tpu.enqueue_indirect_dma source(%dma_start3A_69 : memref<100000x128xf32, #tpu.memory_space<hbm>>) target(%dma_start3A_65 : memref<56x128xf32, #tpu.memory_space<vmem>>) offsets(%dma_start3A_66 : memref<56xi32, #tpu.memory_space<vmem>>) semaphore(%arg10 : memref<!tpu.dma_semaphore, #tpu.memory_space<semaphore_mem>>)
    %multiple_of3A_70 = arith.constant 312 : i32
    %multiple_of3A_71 = tpu.assume_multiple %multiple_of3A_70, 8 : i32
    %dma_start3A_72 = arith.constant 1 : i32
    %dma_start3A_73 = arith.constant 112 : i32
    %dma_start3A_74 = arith.constant 0 : i32
    %dma_start3A_75 = tpu.memref_slice %arg7[%dma_start3A_72, %dma_start3A_73, %dma_start3A_74] : memref<4x200x128xf32, #tpu.memory_space<vmem>> -> memref<1x56x128xf32, #tpu.memory_space<vmem>>
    %dma_start3A_76 = tpu.memref_squeeze %dma_start3A_75 : memref<1x56x128xf32, #tpu.memory_space<vmem>> -> memref<56x128xf32, #tpu.memory_space<vmem>>
    %dma_start3A_77 = tpu.memref_slice %arg6[%multiple_of3A_71] : memref<6400xi32, #tpu.memory_space<vmem>> -> memref<56xi32, #tpu.memory_space<vmem>>
    %dma_start3A_78 = arith.constant 0 : i32
    %dma_start3A_79 = arith.constant 0 : i32
    %dma_start3A_80 = tpu.memref_slice %arg3[%dma_start3A_78, %dma_start3A_79] : memref<100000x128xf32, #tpu.memory_space<hbm>> -> memref<100000x128xf32, #tpu.memory_space<hbm>>
    tpu.enqueue_indirect_dma source(%dma_start3A_80 : memref<100000x128xf32, #tpu.memory_space<hbm>>) target(%dma_start3A_76 : memref<56x128xf32, #tpu.memory_space<vmem>>) offsets(%dma_start3A_77 : memref<56xi32, #tpu.memory_space<vmem>>) semaphore(%arg10 : memref<!tpu.dma_semaphore, #tpu.memory_space<semaphore_mem>>)
    %multiple_of3A_81 = arith.constant 368 : i32
    %multiple_of3A_82 = tpu.assume_multiple %multiple_of3A_81, 8 : i32
    %dma_start3A_83 = arith.constant 1 : i32
    %dma_start3A_84 = arith.constant 168 : i32
    %dma_start3A_85 = arith.constant 0 : i32
    %dma_start3A_86 = tpu.memref_slice %arg7[%dma_start3A_83, %dma_start3A_84, %dma_start3A_85] : memref<4x200x128xf32, #tpu.memory_space<vmem>> -> memref<1x32x128xf32, #tpu.memory_space<vmem>>
    %dma_start3A_87 = tpu.memref_squeeze %dma_start3A_86 : memref<1x32x128xf32, #tpu.memory_space<vmem>> -> memref<32x128xf32, #tpu.memory_space<vmem>>
    %dma_start3A_88 = tpu.memref_slice %arg6[%multiple_of3A_82] : memref<6400xi32, #tpu.memory_space<vmem>> -> memref<32xi32, #tpu.memory_space<vmem>>
    %dma_start3A_89 = arith.constant 0 : i32
    %dma_start3A_90 = arith.constant 0 : i32
    %dma_start3A_91 = tpu.memref_slice %arg3[%dma_start3A_89, %dma_start3A_90] : memref<100000x128xf32, #tpu.memory_space<hbm>> -> memref<100000x128xf32, #tpu.memory_space<hbm>>
    tpu.enqueue_indirect_dma source(%dma_start3A_91 : memref<100000x128xf32, #tpu.memory_space<hbm>>) target(%dma_start3A_87 : memref<32x128xf32, #tpu.memory_space<vmem>>) offsets(%dma_start3A_88 : memref<32xi32, #tpu.memory_space<vmem>>) semaphore(%arg10 : memref<!tpu.dma_semaphore, #tpu.memory_space<semaphore_mem>>)
    %multiple_of3A_92 = arith.constant 400 : i32
    %multiple_of3A_93 = tpu.assume_multiple %multiple_of3A_92, 8 : i32
    %dma_start3A_94 = arith.constant 2 : i32
    %dma_start3A_95 = arith.constant 0 : i32
    %dma_start3A_96 = arith.constant 0 : i32
    %dma_start3A_97 = tpu.memref_slice %arg7[%dma_start3A_94, %dma_start3A_95, %dma_start3A_96] : memref<4x200x128xf32, #tpu.memory_space<vmem>> -> memref<1x56x128xf32, #tpu.memory_space<vmem>>
    %dma_start3A_98 = tpu.memref_squeeze %dma_start3A_97 : memref<1x56x128xf32, #tpu.memory_space<vmem>> -> memref<56x128xf32, #tpu.memory_space<vmem>>
    %dma_start3A_99 = tpu.memref_slice %arg6[%multiple_of3A_93] : memref<6400xi32, #tpu.memory_space<vmem>> -> memref<56xi32, #tpu.memory_space<vmem>>
    %dma_start3A_100 = arith.constant 0 : i32
    %dma_start3A_101 = arith.constant 0 : i32
    %dma_start3A_102 = tpu.memref_slice %arg3[%dma_start3A_100, %dma_start3A_101] : memref<100000x128xf32, #tpu.memory_space<hbm>> -> memref<100000x128xf32, #tpu.memory_space<hbm>>
    tpu.enqueue_indirect_dma source(%dma_start3A_102 : memref<100000x128xf32, #tpu.memory_space<hbm>>) target(%dma_start3A_98 : memref<56x128xf32, #tpu.memory_space<vmem>>) offsets(%dma_start3A_99 : memref<56xi32, #tpu.memory_space<vmem>>) semaphore(%arg11 : memref<!tpu.dma_semaphore, #tpu.memory_space<semaphore_mem>>)
    %multiple_of3A_103 = arith.constant 456 : i32
    %multiple_of3A_104 = tpu.assume_multiple %multiple_of3A_103, 8 : i32
    %dma_start3A_105 = arith.constant 2 : i32
    %dma_start3A_106 = arith.constant 56 : i32
    %dma_start3A_107 = arith.constant 0 : i32
    %dma_start3A_108 = tpu.memref_slice %arg7[%dma_start3A_105, %dma_start3A_106, %dma_start3A_107] : memref<4x200x128xf32, #tpu.memory_space<vmem>> -> memref<1x56x128xf32, #tpu.memory_space<vmem>>
    %dma_start3A_109 = tpu.memref_squeeze %dma_start3A_108 : memref<1x56x128xf32, #tpu.memory_space<vmem>> -> memref<56x128xf32, #tpu.memory_space<vmem>>
    %dma_start3A_110 = tpu.memref_slice %arg6[%multiple_of3A_104] : memref<6400xi32, #tpu.memory_space<vmem>> -> memref<56xi32, #tpu.memory_space<vmem>>
    %dma_start3A_111 = arith.constant 0 : i32
    %dma_start3A_112 = arith.constant 0 : i32
    %dma_start3A_113 = tpu.memref_slice %arg3[%dma_start3A_111, %dma_start3A_112] : memref<100000x128xf32, #tpu.memory_space<hbm>> -> memref<100000x128xf32, #tpu.memory_space<hbm>>
    tpu.enqueue_indirect_dma source(%dma_start3A_113 : memref<100000x128xf32, #tpu.memory_space<hbm>>) target(%dma_start3A_109 : memref<56x128xf32, #tpu.memory_space<vmem>>) offsets(%dma_start3A_110 : memref<56xi32, #tpu.memory_space<vmem>>) semaphore(%arg11 : memref<!tpu.dma_semaphore, #tpu.memory_space<semaphore_mem>>)
    %multiple_of3A_114 = arith.constant 512 : i32
    %multiple_of3A_115 = tpu.assume_multiple %multiple_of3A_114, 8 : i32
    %dma_start3A_116 = arith.constant 2 : i32
    %dma_start3A_117 = arith.constant 112 : i32
    %dma_start3A_118 = arith.constant 0 : i32
    %dma_start3A_119 = tpu.memref_slice %arg7[%dma_start3A_116, %dma_start3A_117, %dma_start3A_118] : memref<4x200x128xf32, #tpu.memory_space<vmem>> -> memref<1x56x128xf32, #tpu.memory_space<vmem>>
    %dma_start3A_120 = tpu.memref_squeeze %dma_start3A_119 : memref<1x56x128xf32, #tpu.memory_space<vmem>> -> memref<56x128xf32, #tpu.memory_space<vmem>>
    %dma_start3A_121 = tpu.memref_slice %arg6[%multiple_of3A_115] : memref<6400xi32, #tpu.memory_space<vmem>> -> memref<56xi32, #tpu.memory_space<vmem>>
    %dma_start3A_122 = arith.constant 0 : i32
    %dma_start3A_123 = arith.constant 0 : i32
    %dma_start3A_124 = tpu.memref_slice %arg3[%dma_start3A_122, %dma_start3A_123] : memref<100000x128xf32, #tpu.memory_space<hbm>> -> memref<100000x128xf32, #tpu.memory_space<hbm>>
    tpu.enqueue_indirect_dma source(%dma_start3A_124 : memref<100000x128xf32, #tpu.memory_space<hbm>>) target(%dma_start3A_120 : memref<56x128xf32, #tpu.memory_space<vmem>>) offsets(%dma_start3A_121 : memref<56xi32, #tpu.memory_space<vmem>>) semaphore(%arg11 : memref<!tpu.dma_semaphore, #tpu.memory_space<semaphore_mem>>)
    %multiple_of3A_125 = arith.constant 568 : i32
    %multiple_of3A_126 = tpu.assume_multiple %multiple_of3A_125, 8 : i32
    %dma_start3A_127 = arith.constant 2 : i32
    %dma_start3A_128 = arith.constant 168 : i32
    %dma_start3A_129 = arith.constant 0 : i32
    %dma_start3A_130 = tpu.memref_slice %arg7[%dma_start3A_127, %dma_start3A_128, %dma_start3A_129] : memref<4x200x128xf32, #tpu.memory_space<vmem>> -> memref<1x32x128xf32, #tpu.memory_space<vmem>>
    %dma_start3A_131 = tpu.memref_squeeze %dma_start3A_130 : memref<1x32x128xf32, #tpu.memory_space<vmem>> -> memref<32x128xf32, #tpu.memory_space<vmem>>
    %dma_start3A_132 = tpu.memref_slice %arg6[%multiple_of3A_126] : memref<6400xi32, #tpu.memory_space<vmem>> -> memref<32xi32, #tpu.memory_space<vmem>>
    %dma_start3A_133 = arith.constant 0 : i32
    %dma_start3A_134 = arith.constant 0 : i32
    %dma_start3A_135 = tpu.memref_slice %arg3[%dma_start3A_133, %dma_start3A_134] : memref<100000x128xf32, #tpu.memory_space<hbm>> -> memref<100000x128xf32, #tpu.memory_space<hbm>>
    tpu.enqueue_indirect_dma source(%dma_start3A_135 : memref<100000x128xf32, #tpu.memory_space<hbm>>) target(%dma_start3A_131 : memref<32x128xf32, #tpu.memory_space<vmem>>) offsets(%dma_start3A_132 : memref<32xi32, #tpu.memory_space<vmem>>) semaphore(%arg11 : memref<!tpu.dma_semaphore, #tpu.memory_space<semaphore_mem>>)
    %scan3A = arith.constant 0 : i32
    %scan3A_136 = arith.constant 8 : i32
    %scan3A_137 = arith.addi %scan3A, %scan3A_136 : i32
    %scan3A_138 = arith.constant 1 : i32
    scf.for %scan3A_142 = %scan3A to %scan3A_137 step %scan3A_138  : i32 {
      %mul3A_143 = arith.constant 4 : i32
      %mul3A_144 = arith.muli %scan3A_142, %mul3A_143 : i32
      %add3A_145 = arith.constant 0 : i32
      %add3A_146 = arith.addi %add3A_145, %mul3A_144 : i32
      %add3A_147 = arith.constant 0 : i32
      %add3A_148 = arith.addi %add3A_146, %add3A_147 : i32
      %dma_wait3A = arith.constant 0 : i32
      %dma_wait3A_149 = arith.constant 0 : i32
      %dma_wait3A_150 = arith.constant 0 : i32
      %dma_wait3A_151 = tpu.memref_slice %arg7[%dma_wait3A, %dma_wait3A_149, %dma_wait3A_150] : memref<4x200x128xf32, #tpu.memory_space<vmem>> -> memref<1x200x128xf32, #tpu.memory_space<vmem>>
      %dma_wait3A_152 = tpu.memref_squeeze %dma_wait3A_151 : memref<1x200x128xf32, #tpu.memory_space<vmem>> -> memref<200x128xf32, #tpu.memory_space<vmem>>
      %dma_wait3A_153 = arith.constant 0 : i32
      %dma_wait3A_154 = arith.constant 0 : i32
      %dma_wait3A_155 = tpu.memref_slice %arg3[%dma_wait3A_153, %dma_wait3A_154] : memref<100000x128xf32, #tpu.memory_space<hbm>> -> memref<200x128xf32, #tpu.memory_space<hbm>>
      %dma_wait3A_156 = arith.constant 0 : i32
      %dma_wait3A_157 = arith.constant 0 : i32
      %dma_wait3A_158 = tpu.memref_slice %arg7[%dma_wait3A, %dma_wait3A_156, %dma_wait3A_157] : memref<4x200x128xf32, #tpu.memory_space<vmem>> -> memref<1x200x128xf32, #tpu.memory_space<vmem>>
      %dma_wait3A_159 = tpu.memref_squeeze %dma_wait3A_158 : memref<1x200x128xf32, #tpu.memory_space<vmem>> -> memref<200x128xf32, #tpu.memory_space<vmem>>
      %dma_wait3A_160 = arith.constant 0 : i32
      %dma_wait3A_161 = arith.constant 0 : i32
      %dma_wait3A_162 = tpu.memref_slice %arg3[%dma_wait3A_160, %dma_wait3A_161] : memref<100000x128xf32, #tpu.memory_space<hbm>> -> memref<200x128xf32, #tpu.memory_space<hbm>>
      tpu.wait_dma2 semaphore(%arg9 : memref<!tpu.dma_semaphore, #tpu.memory_space<semaphore_mem>>) src(%dma_wait3A_162 : memref<200x128xf32, #tpu.memory_space<hbm>>) dst(%dma_wait3A_159 : memref<200x128xf32, #tpu.memory_space<vmem>>)
      %add3A_163 = arith.constant 4 : i32
      %add3A_164 = arith.addi %add3A_148, %add3A_163 : i32
      %sub3A = arith.constant 1 : i32
      %sub3A_165 = arith.subi %add3A_164, %sub3A : i32
      %lt3A = arith.constant 32 : i32
      %lt3A_166 = arith.cmpi slt, %sub3A_165, %lt3A : i32
      %convert_element_type3A_167 = arith.extui %lt3A_166 : i1 to i32
      %cond3A_168 = arith.constant 0 : i32
      %cond3A_169 = arith.cmpi ne, %convert_element_type3A_167, %cond3A_168 : i32
      scf.if %cond3A_169 {
        %add3A_494 = arith.constant 4 : i32
        %add3A_495 = arith.addi %add3A_148, %add3A_494 : i32
        %sub3A_496 = arith.constant 1 : i32
        %sub3A_497 = arith.subi %add3A_495, %sub3A_496 : i32
        %mul3A_498 = arith.constant 200 : i32
        %mul3A_499 = arith.muli %sub3A_497, %mul3A_498 : i32
        %add3A_500 = arith.constant 0 : i32
        %add3A_501 = arith.addi %mul3A_499, %add3A_500 : i32
        %multiple_of3A_502 = tpu.assume_multiple %add3A_501, 8 : i32
        %dma_start3A_503 = arith.constant 3 : i32
        %dma_start3A_504 = arith.constant 0 : i32
        %dma_start3A_505 = arith.constant 0 : i32
        %dma_start3A_506 = tpu.memref_slice %arg7[%dma_start3A_503, %dma_start3A_504, %dma_start3A_505] : memref<4x200x128xf32, #tpu.memory_space<vmem>> -> memref<1x56x128xf32, #tpu.memory_space<vmem>>
        %dma_start3A_507 = tpu.memref_squeeze %dma_start3A_506 : memref<1x56x128xf32, #tpu.memory_space<vmem>> -> memref<56x128xf32, #tpu.memory_space<vmem>>
        %dma_start3A_508 = tpu.memref_slice %arg6[%multiple_of3A_502] : memref<6400xi32, #tpu.memory_space<vmem>> -> memref<56xi32, #tpu.memory_space<vmem>>
        %dma_start3A_509 = arith.constant 0 : i32
        %dma_start3A_510 = arith.constant 0 : i32
        %dma_start3A_511 = tpu.memref_slice %arg3[%dma_start3A_509, %dma_start3A_510] : memref<100000x128xf32, #tpu.memory_space<hbm>> -> memref<100000x128xf32, #tpu.memory_space<hbm>>
        tpu.enqueue_indirect_dma source(%dma_start3A_511 : memref<100000x128xf32, #tpu.memory_space<hbm>>) target(%dma_start3A_507 : memref<56x128xf32, #tpu.memory_space<vmem>>) offsets(%dma_start3A_508 : memref<56xi32, #tpu.memory_space<vmem>>) semaphore(%arg12 : memref<!tpu.dma_semaphore, #tpu.memory_space<semaphore_mem>>)
        %mul3A_512 = arith.constant 200 : i32
        %mul3A_513 = arith.muli %sub3A_497, %mul3A_512 : i32
        %add3A_514 = arith.constant 56 : i32
        %add3A_515 = arith.addi %mul3A_513, %add3A_514 : i32
        %multiple_of3A_516 = tpu.assume_multiple %add3A_515, 8 : i32
        %dma_start3A_517 = arith.constant 3 : i32
        %dma_start3A_518 = arith.constant 56 : i32
        %dma_start3A_519 = arith.constant 0 : i32
        %dma_start3A_520 = tpu.memref_slice %arg7[%dma_start3A_517, %dma_start3A_518, %dma_start3A_519] : memref<4x200x128xf32, #tpu.memory_space<vmem>> -> memref<1x56x128xf32, #tpu.memory_space<vmem>>
        %dma_start3A_521 = tpu.memref_squeeze %dma_start3A_520 : memref<1x56x128xf32, #tpu.memory_space<vmem>> -> memref<56x128xf32, #tpu.memory_space<vmem>>
        %dma_start3A_522 = tpu.memref_slice %arg6[%multiple_of3A_516] : memref<6400xi32, #tpu.memory_space<vmem>> -> memref<56xi32, #tpu.memory_space<vmem>>
        %dma_start3A_523 = arith.constant 0 : i32
        %dma_start3A_524 = arith.constant 0 : i32
        %dma_start3A_525 = tpu.memref_slice %arg3[%dma_start3A_523, %dma_start3A_524] : memref<100000x128xf32, #tpu.memory_space<hbm>> -> memref<100000x128xf32, #tpu.memory_space<hbm>>
        tpu.enqueue_indirect_dma source(%dma_start3A_525 : memref<100000x128xf32, #tpu.memory_space<hbm>>) target(%dma_start3A_521 : memref<56x128xf32, #tpu.memory_space<vmem>>) offsets(%dma_start3A_522 : memref<56xi32, #tpu.memory_space<vmem>>) semaphore(%arg12 : memref<!tpu.dma_semaphore, #tpu.memory_space<semaphore_mem>>)
        %mul3A_526 = arith.constant 200 : i32
        %mul3A_527 = arith.muli %sub3A_497, %mul3A_526 : i32
        %add3A_528 = arith.constant 112 : i32
        %add3A_529 = arith.addi %mul3A_527, %add3A_528 : i32
        %multiple_of3A_530 = tpu.assume_multiple %add3A_529, 8 : i32
        %dma_start3A_531 = arith.constant 3 : i32
        %dma_start3A_532 = arith.constant 112 : i32
        %dma_start3A_533 = arith.constant 0 : i32
        %dma_start3A_534 = tpu.memref_slice %arg7[%dma_start3A_531, %dma_start3A_532, %dma_start3A_533] : memref<4x200x128xf32, #tpu.memory_space<vmem>> -> memref<1x56x128xf32, #tpu.memory_space<vmem>>
        %dma_start3A_535 = tpu.memref_squeeze %dma_start3A_534 : memref<1x56x128xf32, #tpu.memory_space<vmem>> -> memref<56x128xf32, #tpu.memory_space<vmem>>
        %dma_start3A_536 = tpu.memref_slice %arg6[%multiple_of3A_530] : memref<6400xi32, #tpu.memory_space<vmem>> -> memref<56xi32, #tpu.memory_space<vmem>>
        %dma_start3A_537 = arith.constant 0 : i32
        %dma_start3A_538 = arith.constant 0 : i32
        %dma_start3A_539 = tpu.memref_slice %arg3[%dma_start3A_537, %dma_start3A_538] : memref<100000x128xf32, #tpu.memory_space<hbm>> -> memref<100000x128xf32, #tpu.memory_space<hbm>>
        tpu.enqueue_indirect_dma source(%dma_start3A_539 : memref<100000x128xf32, #tpu.memory_space<hbm>>) target(%dma_start3A_535 : memref<56x128xf32, #tpu.memory_space<vmem>>) offsets(%dma_start3A_536 : memref<56xi32, #tpu.memory_space<vmem>>) semaphore(%arg12 : memref<!tpu.dma_semaphore, #tpu.memory_space<semaphore_mem>>)
        %mul3A_540 = arith.constant 200 : i32
        %mul3A_541 = arith.muli %sub3A_497, %mul3A_540 : i32
        %add3A_542 = arith.constant 168 : i32
        %add3A_543 = arith.addi %mul3A_541, %add3A_542 : i32
        %multiple_of3A_544 = tpu.assume_multiple %add3A_543, 8 : i32
        %dma_start3A_545 = arith.constant 3 : i32
        %dma_start3A_546 = arith.constant 168 : i32
        %dma_start3A_547 = arith.constant 0 : i32
        %dma_start3A_548 = tpu.memref_slice %arg7[%dma_start3A_545, %dma_start3A_546, %dma_start3A_547] : memref<4x200x128xf32, #tpu.memory_space<vmem>> -> memref<1x32x128xf32, #tpu.memory_space<vmem>>
        %dma_start3A_549 = tpu.memref_squeeze %dma_start3A_548 : memref<1x32x128xf32, #tpu.memory_space<vmem>> -> memref<32x128xf32, #tpu.memory_space<vmem>>
        %dma_start3A_550 = tpu.memref_slice %arg6[%multiple_of3A_544] : memref<6400xi32, #tpu.memory_space<vmem>> -> memref<32xi32, #tpu.memory_space<vmem>>
        %dma_start3A_551 = arith.constant 0 : i32
        %dma_start3A_552 = arith.constant 0 : i32
        %dma_start3A_553 = tpu.memref_slice %arg3[%dma_start3A_551, %dma_start3A_552] : memref<100000x128xf32, #tpu.memory_space<hbm>> -> memref<100000x128xf32, #tpu.memory_space<hbm>>
        tpu.enqueue_indirect_dma source(%dma_start3A_553 : memref<100000x128xf32, #tpu.memory_space<hbm>>) target(%dma_start3A_549 : memref<32x128xf32, #tpu.memory_space<vmem>>) offsets(%dma_start3A_550 : memref<32xi32, #tpu.memory_space<vmem>>) semaphore(%arg12 : memref<!tpu.dma_semaphore, #tpu.memory_space<semaphore_mem>>)
      } else {
      }
      %broadcast_in_dim3A = arith.constant 0.000000e+00 : f32
      %broadcast_in_dim3A_170 = vector.broadcast %broadcast_in_dim3A : f32 to vector<16xf32>
      %broadcast_in_dim3A_171 = arith.constant 0.000000e+00 : f32
      %broadcast_in_dim3A_172 = vector.broadcast %broadcast_in_dim3A_171 : f32 to vector<16xf32>
      %broadcast_in_dim3A_173 = arith.constant 0.000000e+00 : f32
      %broadcast_in_dim3A_174 = vector.broadcast %broadcast_in_dim3A_173 : f32 to vector<16xf32>
      %broadcast_in_dim3A_175 = arith.constant 0.000000e+00 : f32
      %broadcast_in_dim3A_176 = vector.broadcast %broadcast_in_dim3A_175 : f32 to vector<16xf32>
      %broadcast_in_dim3A_177 = arith.constant 0.000000e+00 : f32
      %broadcast_in_dim3A_178 = vector.broadcast %broadcast_in_dim3A_177 : f32 to vector<16xf32>
      %broadcast_in_dim3A_179 = arith.constant 0.000000e+00 : f32
      %broadcast_in_dim3A_180 = vector.broadcast %broadcast_in_dim3A_179 : f32 to vector<16xf32>
      %broadcast_in_dim3A_181 = arith.constant 0.000000e+00 : f32
      %broadcast_in_dim3A_182 = vector.broadcast %broadcast_in_dim3A_181 : f32 to vector<16xf32>
      %broadcast_in_dim3A_183 = arith.constant 0.000000e+00 : f32
      %broadcast_in_dim3A_184 = vector.broadcast %broadcast_in_dim3A_183 : f32 to vector<16xf32>
      %scan3A_185 = arith.constant 0 : i32
      %scan3A_186 = arith.constant 200 : i32
      %scan3A_187 = arith.addi %scan3A_185, %scan3A_186 : i32
      %scan3A_188 = arith.constant 4 : i32
      %scan3A_189:8 = scf.for %scan3A_494 = %scan3A_185 to %scan3A_187 step %scan3A_188 iter_args(%scan3A_495 = %broadcast_in_dim3A_170, %scan3A_496 = %broadcast_in_dim3A_172, %scan3A_497 = %broadcast_in_dim3A_174, %scan3A_498 = %broadcast_in_dim3A_176, %scan3A_499 = %broadcast_in_dim3A_178, %scan3A_500 = %broadcast_in_dim3A_180, %scan3A_501 = %broadcast_in_dim3A_182, %scan3A_502 = %broadcast_in_dim3A_184) -> (vector<16xf32>, vector<16xf32>, vector<16xf32>, vector<16xf32>, vector<16xf32>, vector<16xf32>, vector<16xf32>, vector<16xf32>)  : i32 {
        %get3A = arith.constant 0 : i32
        %get3A_503 = arith.index_cast %get3A : i32 to index
        %get3A_504 = arith.index_cast %scan3A_494 : i32 to index
        %get3A_505 = arith.constant 0 : index
        %get3A_506 = tpu.vector_load %arg7[%get3A_503, %get3A_504, %get3A_505] {strides = array<i32>} : memref<4x200x128xf32, #tpu.memory_space<vmem>>, vector<1x1x16xf32>,
        %get3A_507 = vector.shape_cast %get3A_506 : vector<1x1x16xf32> to vector<16xf32>
        %add3A_508 = arith.addf %scan3A_495, %get3A_507 : vector<16xf32>
        %get3A_509 = arith.constant 0 : i32
        %get3A_510 = arith.index_cast %get3A_509 : i32 to index
        %get3A_511 = arith.index_cast %scan3A_494 : i32 to index
        %get3A_512 = arith.constant 16 : index
        %get3A_513 = tpu.vector_load %arg7[%get3A_510, %get3A_511, %get3A_512] {strides = array<i32>} : memref<4x200x128xf32, #tpu.memory_space<vmem>>, vector<1x1x16xf32>,
        %get3A_514 = vector.shape_cast %get3A_513 : vector<1x1x16xf32> to vector<16xf32>
        %add3A_515 = arith.addf %scan3A_496, %get3A_514 : vector<16xf32>
        %get3A_516 = arith.constant 0 : i32
        %get3A_517 = arith.index_cast %get3A_516 : i32 to index
        %get3A_518 = arith.index_cast %scan3A_494 : i32 to index
        %get3A_519 = arith.constant 32 : index
        %get3A_520 = tpu.vector_load %arg7[%get3A_517, %get3A_518, %get3A_519] {strides = array<i32>} : memref<4x200x128xf32, #tpu.memory_space<vmem>>, vector<1x1x16xf32>,
        %get3A_521 = vector.shape_cast %get3A_520 : vector<1x1x16xf32> to vector<16xf32>
        %add3A_522 = arith.addf %scan3A_497, %get3A_521 : vector<16xf32>
        %get3A_523 = arith.constant 0 : i32
        %get3A_524 = arith.index_cast %get3A_523 : i32 to index
        %get3A_525 = arith.index_cast %scan3A_494 : i32 to index
        %get3A_526 = arith.constant 48 : index
        %get3A_527 = tpu.vector_load %arg7[%get3A_524, %get3A_525, %get3A_526] {strides = array<i32>} : memref<4x200x128xf32, #tpu.memory_space<vmem>>, vector<1x1x16xf32>,
        %get3A_528 = vector.shape_cast %get3A_527 : vector<1x1x16xf32> to vector<16xf32>
        %add3A_529 = arith.addf %scan3A_498, %get3A_528 : vector<16xf32>
        %get3A_530 = arith.constant 0 : i32
        %get3A_531 = arith.index_cast %get3A_530 : i32 to index
        %get3A_532 = arith.index_cast %scan3A_494 : i32 to index
        %get3A_533 = arith.constant 64 : index
        %get3A_534 = tpu.vector_load %arg7[%get3A_531, %get3A_532, %get3A_533] {strides = array<i32>} : memref<4x200x128xf32, #tpu.memory_space<vmem>>, vector<1x1x16xf32>,
        %get3A_535 = vector.shape_cast %get3A_534 : vector<1x1x16xf32> to vector<16xf32>
        %add3A_536 = arith.addf %scan3A_499, %get3A_535 : vector<16xf32>
        %get3A_537 = arith.constant 0 : i32
        %get3A_538 = arith.index_cast %get3A_537 : i32 to index
        %get3A_539 = arith.index_cast %scan3A_494 : i32 to index
        %get3A_540 = arith.constant 80 : index
        %get3A_541 = tpu.vector_load %arg7[%get3A_538, %get3A_539, %get3A_540] {strides = array<i32>} : memref<4x200x128xf32, #tpu.memory_space<vmem>>, vector<1x1x16xf32>,
        %get3A_542 = vector.shape_cast %get3A_541 : vector<1x1x16xf32> to vector<16xf32>
        %add3A_543 = arith.addf %scan3A_500, %get3A_542 : vector<16xf32>
        %get3A_544 = arith.constant 0 : i32
        %get3A_545 = arith.index_cast %get3A_544 : i32 to index
        %get3A_546 = arith.index_cast %scan3A_494 : i32 to index
        %get3A_547 = arith.constant 96 : index
        %get3A_548 = tpu.vector_load %arg7[%get3A_545, %get3A_546, %get3A_547] {strides = array<i32>} : memref<4x200x128xf32, #tpu.memory_space<vmem>>, vector<1x1x16xf32>,
        %get3A_549 = vector.shape_cast %get3A_548 : vector<1x1x16xf32> to vector<16xf32>
        %add3A_550 = arith.addf %scan3A_501, %get3A_549 : vector<16xf32>
        %get3A_551 = arith.constant 0 : i32
        %get3A_552 = arith.index_cast %get3A_551 : i32 to index
        %get3A_553 = arith.index_cast %scan3A_494 : i32 to index
        %get3A_554 = arith.constant 112 : index
        %get3A_555 = tpu.vector_load %arg7[%get3A_552, %get3A_553, %get3A_554] {strides = array<i32>} : memref<4x200x128xf32, #tpu.memory_space<vmem>>, vector<1x1x16xf32>,
        %get3A_556 = vector.shape_cast %get3A_555 : vector<1x1x16xf32> to vector<16xf32>
        %add3A_557 = arith.addf %scan3A_502, %get3A_556 : vector<16xf32>
        %scan3A_558 = arith.constant 1 : i32
        %scan3A_559 = arith.addi %scan3A_494, %scan3A_558 : i32
        %get3A_560 = arith.constant 0 : i32
        %get3A_561 = arith.index_cast %get3A_560 : i32 to index
        %get3A_562 = arith.index_cast %scan3A_559 : i32 to index
        %get3A_563 = arith.constant 0 : index
        %get3A_564 = tpu.vector_load %arg7[%get3A_561, %get3A_562, %get3A_563] {strides = array<i32>} : memref<4x200x128xf32, #tpu.memory_space<vmem>>, vector<1x1x16xf32>,
        %get3A_565 = vector.shape_cast %get3A_564 : vector<1x1x16xf32> to vector<16xf32>
        %add3A_566 = arith.addf %add3A_508, %get3A_565 : vector<16xf32>
        %get3A_567 = arith.constant 0 : i32
        %get3A_568 = arith.index_cast %get3A_567 : i32 to index
        %get3A_569 = arith.index_cast %scan3A_559 : i32 to index
        %get3A_570 = arith.constant 16 : index
        %get3A_571 = tpu.vector_load %arg7[%get3A_568, %get3A_569, %get3A_570] {strides = array<i32>} : memref<4x200x128xf32, #tpu.memory_space<vmem>>, vector<1x1x16xf32>,
        %get3A_572 = vector.shape_cast %get3A_571 : vector<1x1x16xf32> to vector<16xf32>
        %add3A_573 = arith.addf %add3A_515, %get3A_572 : vector<16xf32>
        %get3A_574 = arith.constant 0 : i32
        %get3A_575 = arith.index_cast %get3A_574 : i32 to index
        %get3A_576 = arith.index_cast %scan3A_559 : i32 to index
        %get3A_577 = arith.constant 32 : index
        %get3A_578 = tpu.vector_load %arg7[%get3A_575, %get3A_576, %get3A_577] {strides = array<i32>} : memref<4x200x128xf32, #tpu.memory_space<vmem>>, vector<1x1x16xf32>,
        %get3A_579 = vector.shape_cast %get3A_578 : vector<1x1x16xf32> to vector<16xf32>
        %add3A_580 = arith.addf %add3A_522, %get3A_579 : vector<16xf32>
        %get3A_581 = arith.constant 0 : i32
        %get3A_582 = arith.index_cast %get3A_581 : i32 to index
        %get3A_583 = arith.index_cast %scan3A_559 : i32 to index
        %get3A_584 = arith.constant 48 : index
        %get3A_585 = tpu.vector_load %arg7[%get3A_582, %get3A_583, %get3A_584] {strides = array<i32>} : memref<4x200x128xf32, #tpu.memory_space<vmem>>, vector<1x1x16xf32>,
        %get3A_586 = vector.shape_cast %get3A_585 : vector<1x1x16xf32> to vector<16xf32>
        %add3A_587 = arith.addf %add3A_529, %get3A_586 : vector<16xf32>
        %get3A_588 = arith.constant 0 : i32
        %get3A_589 = arith.index_cast %get3A_588 : i32 to index
        %get3A_590 = arith.index_cast %scan3A_559 : i32 to index
        %get3A_591 = arith.constant 64 : index
        %get3A_592 = tpu.vector_load %arg7[%get3A_589, %get3A_590, %get3A_591] {strides = array<i32>} : memref<4x200x128xf32, #tpu.memory_space<vmem>>, vector<1x1x16xf32>,
        %get3A_593 = vector.shape_cast %get3A_592 : vector<1x1x16xf32> to vector<16xf32>
        %add3A_594 = arith.addf %add3A_536, %get3A_593 : vector<16xf32>
        %get3A_595 = arith.constant 0 : i32
        %get3A_596 = arith.index_cast %get3A_595 : i32 to index
        %get3A_597 = arith.index_cast %scan3A_559 : i32 to index
        %get3A_598 = arith.constant 80 : index
        %get3A_599 = tpu.vector_load %arg7[%get3A_596, %get3A_597, %get3A_598] {strides = array<i32>} : memref<4x200x128xf32, #tpu.memory_space<vmem>>, vector<1x1x16xf32>,
        %get3A_600 = vector.shape_cast %get3A_599 : vector<1x1x16xf32> to vector<16xf32>
        %add3A_601 = arith.addf %add3A_543, %get3A_600 : vector<16xf32>
        %get3A_602 = arith.constant 0 : i32
        %get3A_603 = arith.index_cast %get3A_602 : i32 to index
        %get3A_604 = arith.index_cast %scan3A_559 : i32 to index
        %get3A_605 = arith.constant 96 : index
        %get3A_606 = tpu.vector_load %arg7[%get3A_603, %get3A_604, %get3A_605] {strides = array<i32>} : memref<4x200x128xf32, #tpu.memory_space<vmem>>, vector<1x1x16xf32>,
        %get3A_607 = vector.shape_cast %get3A_606 : vector<1x1x16xf32> to vector<16xf32>
        %add3A_608 = arith.addf %add3A_550, %get3A_607 : vector<16xf32>
        %get3A_609 = arith.constant 0 : i32
        %get3A_610 = arith.index_cast %get3A_609 : i32 to index
        %get3A_611 = arith.index_cast %scan3A_559 : i32 to index
        %get3A_612 = arith.constant 112 : index
        %get3A_613 = tpu.vector_load %arg7[%get3A_610, %get3A_611, %get3A_612] {strides = array<i32>} : memref<4x200x128xf32, #tpu.memory_space<vmem>>, vector<1x1x16xf32>,
        %get3A_614 = vector.shape_cast %get3A_613 : vector<1x1x16xf32> to vector<16xf32>
        %add3A_615 = arith.addf %add3A_557, %get3A_614 : vector<16xf32>
        %scan3A_616 = arith.constant 2 : i32
        %scan3A_617 = arith.addi %scan3A_494, %scan3A_616 : i32
        %get3A_618 = arith.constant 0 : i32
        %get3A_619 = arith.index_cast %get3A_618 : i32 to index
        %get3A_620 = arith.index_cast %scan3A_617 : i32 to index
        %get3A_621 = arith.constant 0 : index
        %get3A_622 = tpu.vector_load %arg7[%get3A_619, %get3A_620, %get3A_621] {strides = array<i32>} : memref<4x200x128xf32, #tpu.memory_space<vmem>>, vector<1x1x16xf32>,
        %get3A_623 = vector.shape_cast %get3A_622 : vector<1x1x16xf32> to vector<16xf32>
        %add3A_624 = arith.addf %add3A_566, %get3A_623 : vector<16xf32>
        %get3A_625 = arith.constant 0 : i32
        %get3A_626 = arith.index_cast %get3A_625 : i32 to index
        %get3A_627 = arith.index_cast %scan3A_617 : i32 to index
        %get3A_628 = arith.constant 16 : index
        %get3A_629 = tpu.vector_load %arg7[%get3A_626, %get3A_627, %get3A_628] {strides = array<i32>} : memref<4x200x128xf32, #tpu.memory_space<vmem>>, vector<1x1x16xf32>,
        %get3A_630 = vector.shape_cast %get3A_629 : vector<1x1x16xf32> to vector<16xf32>
        %add3A_631 = arith.addf %add3A_573, %get3A_630 : vector<16xf32>
        %get3A_632 = arith.constant 0 : i32
        %get3A_633 = arith.index_cast %get3A_632 : i32 to index
        %get3A_634 = arith.index_cast %scan3A_617 : i32 to index
        %get3A_635 = arith.constant 32 : index
        %get3A_636 = tpu.vector_load %arg7[%get3A_633, %get3A_634, %get3A_635] {strides = array<i32>} : memref<4x200x128xf32, #tpu.memory_space<vmem>>, vector<1x1x16xf32>,
        %get3A_637 = vector.shape_cast %get3A_636 : vector<1x1x16xf32> to vector<16xf32>
        %add3A_638 = arith.addf %add3A_580, %get3A_637 : vector<16xf32>
        %get3A_639 = arith.constant 0 : i32
        %get3A_640 = arith.index_cast %get3A_639 : i32 to index
        %get3A_641 = arith.index_cast %scan3A_617 : i32 to index
        %get3A_642 = arith.constant 48 : index
        %get3A_643 = tpu.vector_load %arg7[%get3A_640, %get3A_641, %get3A_642] {strides = array<i32>} : memref<4x200x128xf32, #tpu.memory_space<vmem>>, vector<1x1x16xf32>,
        %get3A_644 = vector.shape_cast %get3A_643 : vector<1x1x16xf32> to vector<16xf32>
        %add3A_645 = arith.addf %add3A_587, %get3A_644 : vector<16xf32>
        %get3A_646 = arith.constant 0 : i32
        %get3A_647 = arith.index_cast %get3A_646 : i32 to index
        %get3A_648 = arith.index_cast %scan3A_617 : i32 to index
        %get3A_649 = arith.constant 64 : index
        %get3A_650 = tpu.vector_load %arg7[%get3A_647, %get3A_648, %get3A_649] {strides = array<i32>} : memref<4x200x128xf32, #tpu.memory_space<vmem>>, vector<1x1x16xf32>,
        %get3A_651 = vector.shape_cast %get3A_650 : vector<1x1x16xf32> to vector<16xf32>
        %add3A_652 = arith.addf %add3A_594, %get3A_651 : vector<16xf32>
        %get3A_653 = arith.constant 0 : i32
        %get3A_654 = arith.index_cast %get3A_653 : i32 to index
        %get3A_655 = arith.index_cast %scan3A_617 : i32 to index
        %get3A_656 = arith.constant 80 : index
        %get3A_657 = tpu.vector_load %arg7[%get3A_654, %get3A_655, %get3A_656] {strides = array<i32>} : memref<4x200x128xf32, #tpu.memory_space<vmem>>, vector<1x1x16xf32>,
        %get3A_658 = vector.shape_cast %get3A_657 : vector<1x1x16xf32> to vector<16xf32>
        %add3A_659 = arith.addf %add3A_601, %get3A_658 : vector<16xf32>
        %get3A_660 = arith.constant 0 : i32
        %get3A_661 = arith.index_cast %get3A_660 : i32 to index
        %get3A_662 = arith.index_cast %scan3A_617 : i32 to index
        %get3A_663 = arith.constant 96 : index
        %get3A_664 = tpu.vector_load %arg7[%get3A_661, %get3A_662, %get3A_663] {strides = array<i32>} : memref<4x200x128xf32, #tpu.memory_space<vmem>>, vector<1x1x16xf32>,
        %get3A_665 = vector.shape_cast %get3A_664 : vector<1x1x16xf32> to vector<16xf32>
        %add3A_666 = arith.addf %add3A_608, %get3A_665 : vector<16xf32>
        %get3A_667 = arith.constant 0 : i32
        %get3A_668 = arith.index_cast %get3A_667 : i32 to index
        %get3A_669 = arith.index_cast %scan3A_617 : i32 to index
        %get3A_670 = arith.constant 112 : index
        %get3A_671 = tpu.vector_load %arg7[%get3A_668, %get3A_669, %get3A_670] {strides = array<i32>} : memref<4x200x128xf32, #tpu.memory_space<vmem>>, vector<1x1x16xf32>,
        %get3A_672 = vector.shape_cast %get3A_671 : vector<1x1x16xf32> to vector<16xf32>
        %add3A_673 = arith.addf %add3A_615, %get3A_672 : vector<16xf32>
        %scan3A_674 = arith.constant 3 : i32
        %scan3A_675 = arith.addi %scan3A_494, %scan3A_674 : i32
        %get3A_676 = arith.constant 0 : i32
        %get3A_677 = arith.index_cast %get3A_676 : i32 to index
        %get3A_678 = arith.index_cast %scan3A_675 : i32 to index
        %get3A_679 = arith.constant 0 : index
        %get3A_680 = tpu.vector_load %arg7[%get3A_677, %get3A_678, %get3A_679] {strides = array<i32>} : memref<4x200x128xf32, #tpu.memory_space<vmem>>, vector<1x1x16xf32>,
        %get3A_681 = vector.shape_cast %get3A_680 : vector<1x1x16xf32> to vector<16xf32>
        %add3A_682 = arith.addf %add3A_624, %get3A_681 : vector<16xf32>
        %get3A_683 = arith.constant 0 : i32
        %get3A_684 = arith.index_cast %get3A_683 : i32 to index
        %get3A_685 = arith.index_cast %scan3A_675 : i32 to index
        %get3A_686 = arith.constant 16 : index
        %get3A_687 = tpu.vector_load %arg7[%get3A_684, %get3A_685, %get3A_686] {strides = array<i32>} : memref<4x200x128xf32, #tpu.memory_space<vmem>>, vector<1x1x16xf32>,
        %get3A_688 = vector.shape_cast %get3A_687 : vector<1x1x16xf32> to vector<16xf32>
        %add3A_689 = arith.addf %add3A_631, %get3A_688 : vector<16xf32>
        %get3A_690 = arith.constant 0 : i32
        %get3A_691 = arith.index_cast %get3A_690 : i32 to index
        %get3A_692 = arith.index_cast %scan3A_675 : i32 to index
        %get3A_693 = arith.constant 32 : index
        %get3A_694 = tpu.vector_load %arg7[%get3A_691, %get3A_692, %get3A_693] {strides = array<i32>} : memref<4x200x128xf32, #tpu.memory_space<vmem>>, vector<1x1x16xf32>,
        %get3A_695 = vector.shape_cast %get3A_694 : vector<1x1x16xf32> to vector<16xf32>
        %add3A_696 = arith.addf %add3A_638, %get3A_695 : vector<16xf32>
        %get3A_697 = arith.constant 0 : i32
        %get3A_698 = arith.index_cast %get3A_697 : i32 to index
        %get3A_699 = arith.index_cast %scan3A_675 : i32 to index
        %get3A_700 = arith.constant 48 : index
        %get3A_701 = tpu.vector_load %arg7[%get3A_698, %get3A_699, %get3A_700] {strides = array<i32>} : memref<4x200x128xf32, #tpu.memory_space<vmem>>, vector<1x1x16xf32>,
        %get3A_702 = vector.shape_cast %get3A_701 : vector<1x1x16xf32> to vector<16xf32>
        %add3A_703 = arith.addf %add3A_645, %get3A_702 : vector<16xf32>
        %get3A_704 = arith.constant 0 : i32
        %get3A_705 = arith.index_cast %get3A_704 : i32 to index
        %get3A_706 = arith.index_cast %scan3A_675 : i32 to index
        %get3A_707 = arith.constant 64 : index
        %get3A_708 = tpu.vector_load %arg7[%get3A_705, %get3A_706, %get3A_707] {strides = array<i32>} : memref<4x200x128xf32, #tpu.memory_space<vmem>>, vector<1x1x16xf32>,
        %get3A_709 = vector.shape_cast %get3A_708 : vector<1x1x16xf32> to vector<16xf32>
        %add3A_710 = arith.addf %add3A_652, %get3A_709 : vector<16xf32>
        %get3A_711 = arith.constant 0 : i32
        %get3A_712 = arith.index_cast %get3A_711 : i32 to index
        %get3A_713 = arith.index_cast %scan3A_675 : i32 to index
        %get3A_714 = arith.constant 80 : index
        %get3A_715 = tpu.vector_load %arg7[%get3A_712, %get3A_713, %get3A_714] {strides = array<i32>} : memref<4x200x128xf32, #tpu.memory_space<vmem>>, vector<1x1x16xf32>,
        %get3A_716 = vector.shape_cast %get3A_715 : vector<1x1x16xf32> to vector<16xf32>
        %add3A_717 = arith.addf %add3A_659, %get3A_716 : vector<16xf32>
        %get3A_718 = arith.constant 0 : i32
        %get3A_719 = arith.index_cast %get3A_718 : i32 to index
        %get3A_720 = arith.index_cast %scan3A_675 : i32 to index
        %get3A_721 = arith.constant 96 : index
        %get3A_722 = tpu.vector_load %arg7[%get3A_719, %get3A_720, %get3A_721] {strides = array<i32>} : memref<4x200x128xf32, #tpu.memory_space<vmem>>, vector<1x1x16xf32>,
        %get3A_723 = vector.shape_cast %get3A_722 : vector<1x1x16xf32> to vector<16xf32>
        %add3A_724 = arith.addf %add3A_666, %get3A_723 : vector<16xf32>
        %get3A_725 = arith.constant 0 : i32
        %get3A_726 = arith.index_cast %get3A_725 : i32 to index
        %get3A_727 = arith.index_cast %scan3A_675 : i32 to index
        %get3A_728 = arith.constant 112 : index
        %get3A_729 = tpu.vector_load %arg7[%get3A_726, %get3A_727, %get3A_728] {strides = array<i32>} : memref<4x200x128xf32, #tpu.memory_space<vmem>>, vector<1x1x16xf32>,
        %get3A_730 = vector.shape_cast %get3A_729 : vector<1x1x16xf32> to vector<16xf32>
        %add3A_731 = arith.addf %add3A_673, %get3A_730 : vector<16xf32>
        scf.yield %add3A_682, %add3A_689, %add3A_696, %add3A_703, %add3A_710, %add3A_717, %add3A_724, %add3A_731 : vector<16xf32>, vector<16xf32>, vector<16xf32>, vector<16xf32>, vector<16xf32>, vector<16xf32>, vector<16xf32>, vector<16xf32>
      }
      %scan3A_190 = arith.constant 200 : i32
      %swap3A = arith.index_cast %add3A_148 : i32 to index
      %swap3A_191 = arith.constant 0 : index
      %swap3A_192 = tpu.vector_load %arg8[%swap3A, %swap3A_191] {strides = array<i32>} : memref<32x128xf32, #tpu.memory_space<vmem>>, vector<1x16xf32>,
      %swap3A_193 = vector.shape_cast %swap3A_192 : vector<1x16xf32> to vector<16xf32>
      %swap3A_194 = vector.shape_cast %scan3A_189#0 : vector<16xf32> to vector<1x16xf32>
      tpu.vector_store %arg8[%swap3A, %swap3A_191], %swap3A_194 {strides = array<i32>} : memref<32x128xf32, #tpu.memory_space<vmem>>, vector<1x16xf32>,
      %swap3A_195 = arith.index_cast %add3A_148 : i32 to index
      %swap3A_196 = arith.constant 16 : index
      %swap3A_197 = tpu.vector_load %arg8[%swap3A_195, %swap3A_196] {strides = array<i32>} : memref<32x128xf32, #tpu.memory_space<vmem>>, vector<1x16xf32>,
      %swap3A_198 = vector.shape_cast %swap3A_197 : vector<1x16xf32> to vector<16xf32>
      %swap3A_199 = vector.shape_cast %scan3A_189#1 : vector<16xf32> to vector<1x16xf32>
      tpu.vector_store %arg8[%swap3A_195, %swap3A_196], %swap3A_199 {strides = array<i32>} : memref<32x128xf32, #tpu.memory_space<vmem>>, vector<1x16xf32>,
      %swap3A_200 = arith.index_cast %add3A_148 : i32 to index
      %swap3A_201 = arith.constant 32 : index
      %swap3A_202 = tpu.vector_load %arg8[%swap3A_200, %swap3A_201] {strides = array<i32>} : memref<32x128xf32, #tpu.memory_space<vmem>>, vector<1x16xf32>,
      %swap3A_203 = vector.shape_cast %swap3A_202 : vector<1x16xf32> to vector<16xf32>
      %swap3A_204 = vector.shape_cast %scan3A_189#2 : vector<16xf32> to vector<1x16xf32>
      tpu.vector_store %arg8[%swap3A_200, %swap3A_201], %swap3A_204 {strides = array<i32>} : memref<32x128xf32, #tpu.memory_space<vmem>>, vector<1x16xf32>,
      %swap3A_205 = arith.index_cast %add3A_148 : i32 to index
      %swap3A_206 = arith.constant 48 : index
      %swap3A_207 = tpu.vector_load %arg8[%swap3A_205, %swap3A_206] {strides = array<i32>} : memref<32x128xf32, #tpu.memory_space<vmem>>, vector<1x16xf32>,
      %swap3A_208 = vector.shape_cast %swap3A_207 : vector<1x16xf32> to vector<16xf32>
      %swap3A_209 = vector.shape_cast %scan3A_189#3 : vector<16xf32> to vector<1x16xf32>
      tpu.vector_store %arg8[%swap3A_205, %swap3A_206], %swap3A_209 {strides = array<i32>} : memref<32x128xf32, #tpu.memory_space<vmem>>, vector<1x16xf32>,
      %swap3A_210 = arith.index_cast %add3A_148 : i32 to index
      %swap3A_211 = arith.constant 64 : index
      %swap3A_212 = tpu.vector_load %arg8[%swap3A_210, %swap3A_211] {strides = array<i32>} : memref<32x128xf32, #tpu.memory_space<vmem>>, vector<1x16xf32>,
      %swap3A_213 = vector.shape_cast %swap3A_212 : vector<1x16xf32> to vector<16xf32>
      %swap3A_214 = vector.shape_cast %scan3A_189#4 : vector<16xf32> to vector<1x16xf32>
      tpu.vector_store %arg8[%swap3A_210, %swap3A_211], %swap3A_214 {strides = array<i32>} : memref<32x128xf32, #tpu.memory_space<vmem>>, vector<1x16xf32>,
      %swap3A_215 = arith.index_cast %add3A_148 : i32 to index
      %swap3A_216 = arith.constant 80 : index
      %swap3A_217 = tpu.vector_load %arg8[%swap3A_215, %swap3A_216] {strides = array<i32>} : memref<32x128xf32, #tpu.memory_space<vmem>>, vector<1x16xf32>,
      %swap3A_218 = vector.shape_cast %swap3A_217 : vector<1x16xf32> to vector<16xf32>
      %swap3A_219 = vector.shape_cast %scan3A_189#5 : vector<16xf32> to vector<1x16xf32>
      tpu.vector_store %arg8[%swap3A_215, %swap3A_216], %swap3A_219 {strides = array<i32>} : memref<32x128xf32, #tpu.memory_space<vmem>>, vector<1x16xf32>,
      %swap3A_220 = arith.index_cast %add3A_148 : i32 to index
      %swap3A_221 = arith.constant 96 : index
      %swap3A_222 = tpu.vector_load %arg8[%swap3A_220, %swap3A_221] {strides = array<i32>} : memref<32x128xf32, #tpu.memory_space<vmem>>, vector<1x16xf32>,
      %swap3A_223 = vector.shape_cast %swap3A_222 : vector<1x16xf32> to vector<16xf32>
      %swap3A_224 = vector.shape_cast %scan3A_189#6 : vector<16xf32> to vector<1x16xf32>
      tpu.vector_store %arg8[%swap3A_220, %swap3A_221], %swap3A_224 {strides = array<i32>} : memref<32x128xf32, #tpu.memory_space<vmem>>, vector<1x16xf32>,
      %swap3A_225 = arith.index_cast %add3A_148 : i32 to index
      %swap3A_226 = arith.constant 112 : index
      %swap3A_227 = tpu.vector_load %arg8[%swap3A_225, %swap3A_226] {strides = array<i32>} : memref<32x128xf32, #tpu.memory_space<vmem>>, vector<1x16xf32>,
      %swap3A_228 = vector.shape_cast %swap3A_227 : vector<1x16xf32> to vector<16xf32>
      %swap3A_229 = vector.shape_cast %scan3A_189#7 : vector<16xf32> to vector<1x16xf32>
      tpu.vector_store %arg8[%swap3A_225, %swap3A_226], %swap3A_229 {strides = array<i32>} : memref<32x128xf32, #tpu.memory_space<vmem>>, vector<1x16xf32>,
      %add3A_230 = arith.constant 1 : i32
      %add3A_231 = arith.addi %add3A_146, %add3A_230 : i32
      %dma_wait3A_232 = arith.constant 1 : i32
      %dma_wait3A_233 = arith.constant 0 : i32
      %dma_wait3A_234 = arith.constant 0 : i32
      %dma_wait3A_235 = tpu.memref_slice %arg7[%dma_wait3A_232, %dma_wait3A_233, %dma_wait3A_234] : memref<4x200x128xf32, #tpu.memory_space<vmem>> -> memref<1x200x128xf32, #tpu.memory_space<vmem>>
      %dma_wait3A_236 = tpu.memref_squeeze %dma_wait3A_235 : memref<1x200x128xf32, #tpu.memory_space<vmem>> -> memref<200x128xf32, #tpu.memory_space<vmem>>
      %dma_wait3A_237 = arith.constant 0 : i32
      %dma_wait3A_238 = arith.constant 0 : i32
      %dma_wait3A_239 = tpu.memref_slice %arg3[%dma_wait3A_237, %dma_wait3A_238] : memref<100000x128xf32, #tpu.memory_space<hbm>> -> memref<200x128xf32, #tpu.memory_space<hbm>>
      %dma_wait3A_240 = arith.constant 0 : i32
      %dma_wait3A_241 = arith.constant 0 : i32
      %dma_wait3A_242 = tpu.memref_slice %arg7[%dma_wait3A_232, %dma_wait3A_240, %dma_wait3A_241] : memref<4x200x128xf32, #tpu.memory_space<vmem>> -> memref<1x200x128xf32, #tpu.memory_space<vmem>>
      %dma_wait3A_243 = tpu.memref_squeeze %dma_wait3A_242 : memref<1x200x128xf32, #tpu.memory_space<vmem>> -> memref<200x128xf32, #tpu.memory_space<vmem>>
      %dma_wait3A_244 = arith.constant 0 : i32
      %dma_wait3A_245 = arith.constant 0 : i32
      %dma_wait3A_246 = tpu.memref_slice %arg3[%dma_wait3A_244, %dma_wait3A_245] : memref<100000x128xf32, #tpu.memory_space<hbm>> -> memref<200x128xf32, #tpu.memory_space<hbm>>
      tpu.wait_dma2 semaphore(%arg10 : memref<!tpu.dma_semaphore, #tpu.memory_space<semaphore_mem>>) src(%dma_wait3A_246 : memref<200x128xf32, #tpu.memory_space<hbm>>) dst(%dma_wait3A_243 : memref<200x128xf32, #tpu.memory_space<vmem>>)
      %add3A_247 = arith.constant 4 : i32
      %add3A_248 = arith.addi %add3A_231, %add3A_247 : i32
      %sub3A_249 = arith.constant 1 : i32
      %sub3A_250 = arith.subi %add3A_248, %sub3A_249 : i32
      %lt3A_251 = arith.constant 32 : i32
      %lt3A_252 = arith.cmpi slt, %sub3A_250, %lt3A_251 : i32
      %convert_element_type3A_253 = arith.extui %lt3A_252 : i1 to i32
      %cond3A_254 = arith.constant 0 : i32
      %cond3A_255 = arith.cmpi ne, %convert_element_type3A_253, %cond3A_254 : i32
      scf.if %cond3A_255 {
        %add3A_494 = arith.constant 4 : i32
        %add3A_495 = arith.addi %add3A_231, %add3A_494 : i32
        %sub3A_496 = arith.constant 1 : i32
        %sub3A_497 = arith.subi %add3A_495, %sub3A_496 : i32
        %mul3A_498 = arith.constant 200 : i32
        %mul3A_499 = arith.muli %sub3A_497, %mul3A_498 : i32
        %add3A_500 = arith.constant 0 : i32
        %add3A_501 = arith.addi %mul3A_499, %add3A_500 : i32
        %multiple_of3A_502 = tpu.assume_multiple %add3A_501, 8 : i32
        %dma_start3A_503 = arith.constant 0 : i32
        %dma_start3A_504 = arith.constant 0 : i32
        %dma_start3A_505 = arith.constant 0 : i32
        %dma_start3A_506 = tpu.memref_slice %arg7[%dma_start3A_503, %dma_start3A_504, %dma_start3A_505] : memref<4x200x128xf32, #tpu.memory_space<vmem>> -> memref<1x56x128xf32, #tpu.memory_space<vmem>>
        %dma_start3A_507 = tpu.memref_squeeze %dma_start3A_506 : memref<1x56x128xf32, #tpu.memory_space<vmem>> -> memref<56x128xf32, #tpu.memory_space<vmem>>
        %dma_start3A_508 = tpu.memref_slice %arg6[%multiple_of3A_502] : memref<6400xi32, #tpu.memory_space<vmem>> -> memref<56xi32, #tpu.memory_space<vmem>>
        %dma_start3A_509 = arith.constant 0 : i32
        %dma_start3A_510 = arith.constant 0 : i32
        %dma_start3A_511 = tpu.memref_slice %arg3[%dma_start3A_509, %dma_start3A_510] : memref<100000x128xf32, #tpu.memory_space<hbm>> -> memref<100000x128xf32, #tpu.memory_space<hbm>>
        tpu.enqueue_indirect_dma source(%dma_start3A_511 : memref<100000x128xf32, #tpu.memory_space<hbm>>) target(%dma_start3A_507 : memref<56x128xf32, #tpu.memory_space<vmem>>) offsets(%dma_start3A_508 : memref<56xi32, #tpu.memory_space<vmem>>) semaphore(%arg9 : memref<!tpu.dma_semaphore, #tpu.memory_space<semaphore_mem>>)
        %mul3A_512 = arith.constant 200 : i32
        %mul3A_513 = arith.muli %sub3A_497, %mul3A_512 : i32
        %add3A_514 = arith.constant 56 : i32
        %add3A_515 = arith.addi %mul3A_513, %add3A_514 : i32
        %multiple_of3A_516 = tpu.assume_multiple %add3A_515, 8 : i32
        %dma_start3A_517 = arith.constant 0 : i32
        %dma_start3A_518 = arith.constant 56 : i32
        %dma_start3A_519 = arith.constant 0 : i32
        %dma_start3A_520 = tpu.memref_slice %arg7[%dma_start3A_517, %dma_start3A_518, %dma_start3A_519] : memref<4x200x128xf32, #tpu.memory_space<vmem>> -> memref<1x56x128xf32, #tpu.memory_space<vmem>>
        %dma_start3A_521 = tpu.memref_squeeze %dma_start3A_520 : memref<1x56x128xf32, #tpu.memory_space<vmem>> -> memref<56x128xf32, #tpu.memory_space<vmem>>
        %dma_start3A_522 = tpu.memref_slice %arg6[%multiple_of3A_516] : memref<6400xi32, #tpu.memory_space<vmem>> -> memref<56xi32, #tpu.memory_space<vmem>>
        %dma_start3A_523 = arith.constant 0 : i32
        %dma_start3A_524 = arith.constant 0 : i32
        %dma_start3A_525 = tpu.memref_slice %arg3[%dma_start3A_523, %dma_start3A_524] : memref<100000x128xf32, #tpu.memory_space<hbm>> -> memref<100000x128xf32, #tpu.memory_space<hbm>>
        tpu.enqueue_indirect_dma source(%dma_start3A_525 : memref<100000x128xf32, #tpu.memory_space<hbm>>) target(%dma_start3A_521 : memref<56x128xf32, #tpu.memory_space<vmem>>) offsets(%dma_start3A_522 : memref<56xi32, #tpu.memory_space<vmem>>) semaphore(%arg9 : memref<!tpu.dma_semaphore, #tpu.memory_space<semaphore_mem>>)
        %mul3A_526 = arith.constant 200 : i32
        %mul3A_527 = arith.muli %sub3A_497, %mul3A_526 : i32
        %add3A_528 = arith.constant 112 : i32
        %add3A_529 = arith.addi %mul3A_527, %add3A_528 : i32
        %multiple_of3A_530 = tpu.assume_multiple %add3A_529, 8 : i32
        %dma_start3A_531 = arith.constant 0 : i32
        %dma_start3A_532 = arith.constant 112 : i32
        %dma_start3A_533 = arith.constant 0 : i32
        %dma_start3A_534 = tpu.memref_slice %arg7[%dma_start3A_531, %dma_start3A_532, %dma_start3A_533] : memref<4x200x128xf32, #tpu.memory_space<vmem>> -> memref<1x56x128xf32, #tpu.memory_space<vmem>>
        %dma_start3A_535 = tpu.memref_squeeze %dma_start3A_534 : memref<1x56x128xf32, #tpu.memory_space<vmem>> -> memref<56x128xf32, #tpu.memory_space<vmem>>
        %dma_start3A_536 = tpu.memref_slice %arg6[%multiple_of3A_530] : memref<6400xi32, #tpu.memory_space<vmem>> -> memref<56xi32, #tpu.memory_space<vmem>>
        %dma_start3A_537 = arith.constant 0 : i32
        %dma_start3A_538 = arith.constant 0 : i32
        %dma_start3A_539 = tpu.memref_slice %arg3[%dma_start3A_537, %dma_start3A_538] : memref<100000x128xf32, #tpu.memory_space<hbm>> -> memref<100000x128xf32, #tpu.memory_space<hbm>>
        tpu.enqueue_indirect_dma source(%dma_start3A_539 : memref<100000x128xf32, #tpu.memory_space<hbm>>) target(%dma_start3A_535 : memref<56x128xf32, #tpu.memory_space<vmem>>) offsets(%dma_start3A_536 : memref<56xi32, #tpu.memory_space<vmem>>) semaphore(%arg9 : memref<!tpu.dma_semaphore, #tpu.memory_space<semaphore_mem>>)
        %mul3A_540 = arith.constant 200 : i32
        %mul3A_541 = arith.muli %sub3A_497, %mul3A_540 : i32
        %add3A_542 = arith.constant 168 : i32
        %add3A_543 = arith.addi %mul3A_541, %add3A_542 : i32
        %multiple_of3A_544 = tpu.assume_multiple %add3A_543, 8 : i32
        %dma_start3A_545 = arith.constant 0 : i32
        %dma_start3A_546 = arith.constant 168 : i32
        %dma_start3A_547 = arith.constant 0 : i32
        %dma_start3A_548 = tpu.memref_slice %arg7[%dma_start3A_545, %dma_start3A_546, %dma_start3A_547] : memref<4x200x128xf32, #tpu.memory_space<vmem>> -> memref<1x32x128xf32, #tpu.memory_space<vmem>>
        %dma_start3A_549 = tpu.memref_squeeze %dma_start3A_548 : memref<1x32x128xf32, #tpu.memory_space<vmem>> -> memref<32x128xf32, #tpu.memory_space<vmem>>
        %dma_start3A_550 = tpu.memref_slice %arg6[%multiple_of3A_544] : memref<6400xi32, #tpu.memory_space<vmem>> -> memref<32xi32, #tpu.memory_space<vmem>>
        %dma_start3A_551 = arith.constant 0 : i32
        %dma_start3A_552 = arith.constant 0 : i32
        %dma_start3A_553 = tpu.memref_slice %arg3[%dma_start3A_551, %dma_start3A_552] : memref<100000x128xf32, #tpu.memory_space<hbm>> -> memref<100000x128xf32, #tpu.memory_space<hbm>>
        tpu.enqueue_indirect_dma source(%dma_start3A_553 : memref<100000x128xf32, #tpu.memory_space<hbm>>) target(%dma_start3A_549 : memref<32x128xf32, #tpu.memory_space<vmem>>) offsets(%dma_start3A_550 : memref<32xi32, #tpu.memory_space<vmem>>) semaphore(%arg9 : memref<!tpu.dma_semaphore, #tpu.memory_space<semaphore_mem>>)
      } else {
      }
      %broadcast_in_dim3A_256 = arith.constant 0.000000e+00 : f32
      %broadcast_in_dim3A_257 = vector.broadcast %broadcast_in_dim3A_256 : f32 to vector<16xf32>
      %broadcast_in_dim3A_258 = arith.constant 0.000000e+00 : f32
      %broadcast_in_dim3A_259 = vector.broadcast %broadcast_in_dim3A_258 : f32 to vector<16xf32>
      %broadcast_in_dim3A_260 = arith.constant 0.000000e+00 : f32
      %broadcast_in_dim3A_261 = vector.broadcast %broadcast_in_dim3A_260 : f32 to vector<16xf32>
      %broadcast_in_dim3A_262 = arith.constant 0.000000e+00 : f32
      %broadcast_in_dim3A_263 = vector.broadcast %broadcast_in_dim3A_262 : f32 to vector<16xf32>
      %broadcast_in_dim3A_264 = arith.constant 0.000000e+00 : f32
      %broadcast_in_dim3A_265 = vector.broadcast %broadcast_in_dim3A_264 : f32 to vector<16xf32>
      %broadcast_in_dim3A_266 = arith.constant 0.000000e+00 : f32
      %broadcast_in_dim3A_267 = vector.broadcast %broadcast_in_dim3A_266 : f32 to vector<16xf32>
      %broadcast_in_dim3A_268 = arith.constant 0.000000e+00 : f32
      %broadcast_in_dim3A_269 = vector.broadcast %broadcast_in_dim3A_268 : f32 to vector<16xf32>
      %broadcast_in_dim3A_270 = arith.constant 0.000000e+00 : f32
      %broadcast_in_dim3A_271 = vector.broadcast %broadcast_in_dim3A_270 : f32 to vector<16xf32>
      %scan3A_272 = arith.constant 0 : i32
      %scan3A_273 = arith.constant 200 : i32
      %scan3A_274 = arith.addi %scan3A_272, %scan3A_273 : i32
      %scan3A_275 = arith.constant 4 : i32
      %scan3A_276:8 = scf.for %scan3A_494 = %scan3A_272 to %scan3A_274 step %scan3A_275 iter_args(%scan3A_495 = %broadcast_in_dim3A_257, %scan3A_496 = %broadcast_in_dim3A_259, %scan3A_497 = %broadcast_in_dim3A_261, %scan3A_498 = %broadcast_in_dim3A_263, %scan3A_499 = %broadcast_in_dim3A_265, %scan3A_500 = %broadcast_in_dim3A_267, %scan3A_501 = %broadcast_in_dim3A_269, %scan3A_502 = %broadcast_in_dim3A_271) -> (vector<16xf32>, vector<16xf32>, vector<16xf32>, vector<16xf32>, vector<16xf32>, vector<16xf32>, vector<16xf32>, vector<16xf32>)  : i32 {
        %get3A = arith.constant 1 : i32
        %get3A_503 = arith.index_cast %get3A : i32 to index
        %get3A_504 = arith.index_cast %scan3A_494 : i32 to index
        %get3A_505 = arith.constant 0 : index
        %get3A_506 = tpu.vector_load %arg7[%get3A_503, %get3A_504, %get3A_505] {strides = array<i32>} : memref<4x200x128xf32, #tpu.memory_space<vmem>>, vector<1x1x16xf32>,
        %get3A_507 = vector.shape_cast %get3A_506 : vector<1x1x16xf32> to vector<16xf32>
        %add3A_508 = arith.addf %scan3A_495, %get3A_507 : vector<16xf32>
        %get3A_509 = arith.constant 1 : i32
        %get3A_510 = arith.index_cast %get3A_509 : i32 to index
        %get3A_511 = arith.index_cast %scan3A_494 : i32 to index
        %get3A_512 = arith.constant 16 : index
        %get3A_513 = tpu.vector_load %arg7[%get3A_510, %get3A_511, %get3A_512] {strides = array<i32>} : memref<4x200x128xf32, #tpu.memory_space<vmem>>, vector<1x1x16xf32>,
        %get3A_514 = vector.shape_cast %get3A_513 : vector<1x1x16xf32> to vector<16xf32>
        %add3A_515 = arith.addf %scan3A_496, %get3A_514 : vector<16xf32>
        %get3A_516 = arith.constant 1 : i32
        %get3A_517 = arith.index_cast %get3A_516 : i32 to index
        %get3A_518 = arith.index_cast %scan3A_494 : i32 to index
        %get3A_519 = arith.constant 32 : index
        %get3A_520 = tpu.vector_load %arg7[%get3A_517, %get3A_518, %get3A_519] {strides = array<i32>} : memref<4x200x128xf32, #tpu.memory_space<vmem>>, vector<1x1x16xf32>,
        %get3A_521 = vector.shape_cast %get3A_520 : vector<1x1x16xf32> to vector<16xf32>
        %add3A_522 = arith.addf %scan3A_497, %get3A_521 : vector<16xf32>
        %get3A_523 = arith.constant 1 : i32
        %get3A_524 = arith.index_cast %get3A_523 : i32 to index
        %get3A_525 = arith.index_cast %scan3A_494 : i32 to index
        %get3A_526 = arith.constant 48 : index
        %get3A_527 = tpu.vector_load %arg7[%get3A_524, %get3A_525, %get3A_526] {strides = array<i32>} : memref<4x200x128xf32, #tpu.memory_space<vmem>>, vector<1x1x16xf32>,
        %get3A_528 = vector.shape_cast %get3A_527 : vector<1x1x16xf32> to vector<16xf32>
        %add3A_529 = arith.addf %scan3A_498, %get3A_528 : vector<16xf32>
        %get3A_530 = arith.constant 1 : i32
        %get3A_531 = arith.index_cast %get3A_530 : i32 to index
        %get3A_532 = arith.index_cast %scan3A_494 : i32 to index
        %get3A_533 = arith.constant 64 : index
        %get3A_534 = tpu.vector_load %arg7[%get3A_531, %get3A_532, %get3A_533] {strides = array<i32>} : memref<4x200x128xf32, #tpu.memory_space<vmem>>, vector<1x1x16xf32>,
        %get3A_535 = vector.shape_cast %get3A_534 : vector<1x1x16xf32> to vector<16xf32>
        %add3A_536 = arith.addf %scan3A_499, %get3A_535 : vector<16xf32>
        %get3A_537 = arith.constant 1 : i32
        %get3A_538 = arith.index_cast %get3A_537 : i32 to index
        %get3A_539 = arith.index_cast %scan3A_494 : i32 to index
        %get3A_540 = arith.constant 80 : index
        %get3A_541 = tpu.vector_load %arg7[%get3A_538, %get3A_539, %get3A_540] {strides = array<i32>} : memref<4x200x128xf32, #tpu.memory_space<vmem>>, vector<1x1x16xf32>,
        %get3A_542 = vector.shape_cast %get3A_541 : vector<1x1x16xf32> to vector<16xf32>
        %add3A_543 = arith.addf %scan3A_500, %get3A_542 : vector<16xf32>
        %get3A_544 = arith.constant 1 : i32
        %get3A_545 = arith.index_cast %get3A_544 : i32 to index
        %get3A_546 = arith.index_cast %scan3A_494 : i32 to index
        %get3A_547 = arith.constant 96 : index
        %get3A_548 = tpu.vector_load %arg7[%get3A_545, %get3A_546, %get3A_547] {strides = array<i32>} : memref<4x200x128xf32, #tpu.memory_space<vmem>>, vector<1x1x16xf32>,
        %get3A_549 = vector.shape_cast %get3A_548 : vector<1x1x16xf32> to vector<16xf32>
        %add3A_550 = arith.addf %scan3A_501, %get3A_549 : vector<16xf32>
        %get3A_551 = arith.constant 1 : i32
        %get3A_552 = arith.index_cast %get3A_551 : i32 to index
        %get3A_553 = arith.index_cast %scan3A_494 : i32 to index
        %get3A_554 = arith.constant 112 : index
        %get3A_555 = tpu.vector_load %arg7[%get3A_552, %get3A_553, %get3A_554] {strides = array<i32>} : memref<4x200x128xf32, #tpu.memory_space<vmem>>, vector<1x1x16xf32>,
        %get3A_556 = vector.shape_cast %get3A_555 : vector<1x1x16xf32> to vector<16xf32>
        %add3A_557 = arith.addf %scan3A_502, %get3A_556 : vector<16xf32>
        %scan3A_558 = arith.constant 1 : i32
        %scan3A_559 = arith.addi %scan3A_494, %scan3A_558 : i32
        %get3A_560 = arith.constant 1 : i32
        %get3A_561 = arith.index_cast %get3A_560 : i32 to index
        %get3A_562 = arith.index_cast %scan3A_559 : i32 to index
        %get3A_563 = arith.constant 0 : index
        %get3A_564 = tpu.vector_load %arg7[%get3A_561, %get3A_562, %get3A_563] {strides = array<i32>} : memref<4x200x128xf32, #tpu.memory_space<vmem>>, vector<1x1x16xf32>,
        %get3A_565 = vector.shape_cast %get3A_564 : vector<1x1x16xf32> to vector<16xf32>
        %add3A_566 = arith.addf %add3A_508, %get3A_565 : vector<16xf32>
        %get3A_567 = arith.constant 1 : i32
        %get3A_568 = arith.index_cast %get3A_567 : i32 to index
        %get3A_569 = arith.index_cast %scan3A_559 : i32 to index
        %get3A_570 = arith.constant 16 : index
        %get3A_571 = tpu.vector_load %arg7[%get3A_568, %get3A_569, %get3A_570] {strides = array<i32>} : memref<4x200x128xf32, #tpu.memory_space<vmem>>, vector<1x1x16xf32>,
        %get3A_572 = vector.shape_cast %get3A_571 : vector<1x1x16xf32> to vector<16xf32>
        %add3A_573 = arith.addf %add3A_515, %get3A_572 : vector<16xf32>
        %get3A_574 = arith.constant 1 : i32
        %get3A_575 = arith.index_cast %get3A_574 : i32 to index
        %get3A_576 = arith.index_cast %scan3A_559 : i32 to index
        %get3A_577 = arith.constant 32 : index
        %get3A_578 = tpu.vector_load %arg7[%get3A_575, %get3A_576, %get3A_577] {strides = array<i32>} : memref<4x200x128xf32, #tpu.memory_space<vmem>>, vector<1x1x16xf32>,
        %get3A_579 = vector.shape_cast %get3A_578 : vector<1x1x16xf32> to vector<16xf32>
        %add3A_580 = arith.addf %add3A_522, %get3A_579 : vector<16xf32>
        %get3A_581 = arith.constant 1 : i32
        %get3A_582 = arith.index_cast %get3A_581 : i32 to index
        %get3A_583 = arith.index_cast %scan3A_559 : i32 to index
        %get3A_584 = arith.constant 48 : index
        %get3A_585 = tpu.vector_load %arg7[%get3A_582, %get3A_583, %get3A_584] {strides = array<i32>} : memref<4x200x128xf32, #tpu.memory_space<vmem>>, vector<1x1x16xf32>,
        %get3A_586 = vector.shape_cast %get3A_585 : vector<1x1x16xf32> to vector<16xf32>
        %add3A_587 = arith.addf %add3A_529, %get3A_586 : vector<16xf32>
        %get3A_588 = arith.constant 1 : i32
        %get3A_589 = arith.index_cast %get3A_588 : i32 to index
        %get3A_590 = arith.index_cast %scan3A_559 : i32 to index
        %get3A_591 = arith.constant 64 : index
        %get3A_592 = tpu.vector_load %arg7[%get3A_589, %get3A_590, %get3A_591] {strides = array<i32>} : memref<4x200x128xf32, #tpu.memory_space<vmem>>, vector<1x1x16xf32>,
        %get3A_593 = vector.shape_cast %get3A_592 : vector<1x1x16xf32> to vector<16xf32>
        %add3A_594 = arith.addf %add3A_536, %get3A_593 : vector<16xf32>
        %get3A_595 = arith.constant 1 : i32
        %get3A_596 = arith.index_cast %get3A_595 : i32 to index
        %get3A_597 = arith.index_cast %scan3A_559 : i32 to index
        %get3A_598 = arith.constant 80 : index
        %get3A_599 = tpu.vector_load %arg7[%get3A_596, %get3A_597, %get3A_598] {strides = array<i32>} : memref<4x200x128xf32, #tpu.memory_space<vmem>>, vector<1x1x16xf32>,
        %get3A_600 = vector.shape_cast %get3A_599 : vector<1x1x16xf32> to vector<16xf32>
        %add3A_601 = arith.addf %add3A_543, %get3A_600 : vector<16xf32>
        %get3A_602 = arith.constant 1 : i32
        %get3A_603 = arith.index_cast %get3A_602 : i32 to index
        %get3A_604 = arith.index_cast %scan3A_559 : i32 to index
        %get3A_605 = arith.constant 96 : index
        %get3A_606 = tpu.vector_load %arg7[%get3A_603, %get3A_604, %get3A_605] {strides = array<i32>} : memref<4x200x128xf32, #tpu.memory_space<vmem>>, vector<1x1x16xf32>,
        %get3A_607 = vector.shape_cast %get3A_606 : vector<1x1x16xf32> to vector<16xf32>
        %add3A_608 = arith.addf %add3A_550, %get3A_607 : vector<16xf32>
        %get3A_609 = arith.constant 1 : i32
        %get3A_610 = arith.index_cast %get3A_609 : i32 to index
        %get3A_611 = arith.index_cast %scan3A_559 : i32 to index
        %get3A_612 = arith.constant 112 : index
        %get3A_613 = tpu.vector_load %arg7[%get3A_610, %get3A_611, %get3A_612] {strides = array<i32>} : memref<4x200x128xf32, #tpu.memory_space<vmem>>, vector<1x1x16xf32>,
        %get3A_614 = vector.shape_cast %get3A_613 : vector<1x1x16xf32> to vector<16xf32>
        %add3A_615 = arith.addf %add3A_557, %get3A_614 : vector<16xf32>
        %scan3A_616 = arith.constant 2 : i32
        %scan3A_617 = arith.addi %scan3A_494, %scan3A_616 : i32
        %get3A_618 = arith.constant 1 : i32
        %get3A_619 = arith.index_cast %get3A_618 : i32 to index
        %get3A_620 = arith.index_cast %scan3A_617 : i32 to index
        %get3A_621 = arith.constant 0 : index
        %get3A_622 = tpu.vector_load %arg7[%get3A_619, %get3A_620, %get3A_621] {strides = array<i32>} : memref<4x200x128xf32, #tpu.memory_space<vmem>>, vector<1x1x16xf32>,
        %get3A_623 = vector.shape_cast %get3A_622 : vector<1x1x16xf32> to vector<16xf32>
        %add3A_624 = arith.addf %add3A_566, %get3A_623 : vector<16xf32>
        %get3A_625 = arith.constant 1 : i32
        %get3A_626 = arith.index_cast %get3A_625 : i32 to index
        %get3A_627 = arith.index_cast %scan3A_617 : i32 to index
        %get3A_628 = arith.constant 16 : index
        %get3A_629 = tpu.vector_load %arg7[%get3A_626, %get3A_627, %get3A_628] {strides = array<i32>} : memref<4x200x128xf32, #tpu.memory_space<vmem>>, vector<1x1x16xf32>,
        %get3A_630 = vector.shape_cast %get3A_629 : vector<1x1x16xf32> to vector<16xf32>
        %add3A_631 = arith.addf %add3A_573, %get3A_630 : vector<16xf32>
        %get3A_632 = arith.constant 1 : i32
        %get3A_633 = arith.index_cast %get3A_632 : i32 to index
        %get3A_634 = arith.index_cast %scan3A_617 : i32 to index
        %get3A_635 = arith.constant 32 : index
        %get3A_636 = tpu.vector_load %arg7[%get3A_633, %get3A_634, %get3A_635] {strides = array<i32>} : memref<4x200x128xf32, #tpu.memory_space<vmem>>, vector<1x1x16xf32>,
        %get3A_637 = vector.shape_cast %get3A_636 : vector<1x1x16xf32> to vector<16xf32>
        %add3A_638 = arith.addf %add3A_580, %get3A_637 : vector<16xf32>
        %get3A_639 = arith.constant 1 : i32
        %get3A_640 = arith.index_cast %get3A_639 : i32 to index
        %get3A_641 = arith.index_cast %scan3A_617 : i32 to index
        %get3A_642 = arith.constant 48 : index
        %get3A_643 = tpu.vector_load %arg7[%get3A_640, %get3A_641, %get3A_642] {strides = array<i32>} : memref<4x200x128xf32, #tpu.memory_space<vmem>>, vector<1x1x16xf32>,
        %get3A_644 = vector.shape_cast %get3A_643 : vector<1x1x16xf32> to vector<16xf32>
        %add3A_645 = arith.addf %add3A_587, %get3A_644 : vector<16xf32>
        %get3A_646 = arith.constant 1 : i32
        %get3A_647 = arith.index_cast %get3A_646 : i32 to index
        %get3A_648 = arith.index_cast %scan3A_617 : i32 to index
        %get3A_649 = arith.constant 64 : index
        %get3A_650 = tpu.vector_load %arg7[%get3A_647, %get3A_648, %get3A_649] {strides = array<i32>} : memref<4x200x128xf32, #tpu.memory_space<vmem>>, vector<1x1x16xf32>,
        %get3A_651 = vector.shape_cast %get3A_650 : vector<1x1x16xf32> to vector<16xf32>
        %add3A_652 = arith.addf %add3A_594, %get3A_651 : vector<16xf32>
        %get3A_653 = arith.constant 1 : i32
        %get3A_654 = arith.index_cast %get3A_653 : i32 to index
        %get3A_655 = arith.index_cast %scan3A_617 : i32 to index
        %get3A_656 = arith.constant 80 : index
        %get3A_657 = tpu.vector_load %arg7[%get3A_654, %get3A_655, %get3A_656] {strides = array<i32>} : memref<4x200x128xf32, #tpu.memory_space<vmem>>, vector<1x1x16xf32>,
        %get3A_658 = vector.shape_cast %get3A_657 : vector<1x1x16xf32> to vector<16xf32>
        %add3A_659 = arith.addf %add3A_601, %get3A_658 : vector<16xf32>
        %get3A_660 = arith.constant 1 : i32
        %get3A_661 = arith.index_cast %get3A_660 : i32 to index
        %get3A_662 = arith.index_cast %scan3A_617 : i32 to index
        %get3A_663 = arith.constant 96 : index
        %get3A_664 = tpu.vector_load %arg7[%get3A_661, %get3A_662, %get3A_663] {strides = array<i32>} : memref<4x200x128xf32, #tpu.memory_space<vmem>>, vector<1x1x16xf32>,
        %get3A_665 = vector.shape_cast %get3A_664 : vector<1x1x16xf32> to vector<16xf32>
        %add3A_666 = arith.addf %add3A_608, %get3A_665 : vector<16xf32>
        %get3A_667 = arith.constant 1 : i32
        %get3A_668 = arith.index_cast %get3A_667 : i32 to index
        %get3A_669 = arith.index_cast %scan3A_617 : i32 to index
        %get3A_670 = arith.constant 112 : index
        %get3A_671 = tpu.vector_load %arg7[%get3A_668, %get3A_669, %get3A_670] {strides = array<i32>} : memref<4x200x128xf32, #tpu.memory_space<vmem>>, vector<1x1x16xf32>,
        %get3A_672 = vector.shape_cast %get3A_671 : vector<1x1x16xf32> to vector<16xf32>
        %add3A_673 = arith.addf %add3A_615, %get3A_672 : vector<16xf32>
        %scan3A_674 = arith.constant 3 : i32
        %scan3A_675 = arith.addi %scan3A_494, %scan3A_674 : i32
        %get3A_676 = arith.constant 1 : i32
        %get3A_677 = arith.index_cast %get3A_676 : i32 to index
        %get3A_678 = arith.index_cast %scan3A_675 : i32 to index
        %get3A_679 = arith.constant 0 : index
        %get3A_680 = tpu.vector_load %arg7[%get3A_677, %get3A_678, %get3A_679] {strides = array<i32>} : memref<4x200x128xf32, #tpu.memory_space<vmem>>, vector<1x1x16xf32>,
        %get3A_681 = vector.shape_cast %get3A_680 : vector<1x1x16xf32> to vector<16xf32>
        %add3A_682 = arith.addf %add3A_624, %get3A_681 : vector<16xf32>
        %get3A_683 = arith.constant 1 : i32
        %get3A_684 = arith.index_cast %get3A_683 : i32 to index
        %get3A_685 = arith.index_cast %scan3A_675 : i32 to index
        %get3A_686 = arith.constant 16 : index
        %get3A_687 = tpu.vector_load %arg7[%get3A_684, %get3A_685, %get3A_686] {strides = array<i32>} : memref<4x200x128xf32, #tpu.memory_space<vmem>>, vector<1x1x16xf32>,
        %get3A_688 = vector.shape_cast %get3A_687 : vector<1x1x16xf32> to vector<16xf32>
        %add3A_689 = arith.addf %add3A_631, %get3A_688 : vector<16xf32>
        %get3A_690 = arith.constant 1 : i32
        %get3A_691 = arith.index_cast %get3A_690 : i32 to index
        %get3A_692 = arith.index_cast %scan3A_675 : i32 to index
        %get3A_693 = arith.constant 32 : index
        %get3A_694 = tpu.vector_load %arg7[%get3A_691, %get3A_692, %get3A_693] {strides = array<i32>} : memref<4x200x128xf32, #tpu.memory_space<vmem>>, vector<1x1x16xf32>,
        %get3A_695 = vector.shape_cast %get3A_694 : vector<1x1x16xf32> to vector<16xf32>
        %add3A_696 = arith.addf %add3A_638, %get3A_695 : vector<16xf32>
        %get3A_697 = arith.constant 1 : i32
        %get3A_698 = arith.index_cast %get3A_697 : i32 to index
        %get3A_699 = arith.index_cast %scan3A_675 : i32 to index
        %get3A_700 = arith.constant 48 : index
        %get3A_701 = tpu.vector_load %arg7[%get3A_698, %get3A_699, %get3A_700] {strides = array<i32>} : memref<4x200x128xf32, #tpu.memory_space<vmem>>, vector<1x1x16xf32>,
        %get3A_702 = vector.shape_cast %get3A_701 : vector<1x1x16xf32> to vector<16xf32>
        %add3A_703 = arith.addf %add3A_645, %get3A_702 : vector<16xf32>
        %get3A_704 = arith.constant 1 : i32
        %get3A_705 = arith.index_cast %get3A_704 : i32 to index
        %get3A_706 = arith.index_cast %scan3A_675 : i32 to index
        %get3A_707 = arith.constant 64 : index
        %get3A_708 = tpu.vector_load %arg7[%get3A_705, %get3A_706, %get3A_707] {strides = array<i32>} : memref<4x200x128xf32, #tpu.memory_space<vmem>>, vector<1x1x16xf32>,
        %get3A_709 = vector.shape_cast %get3A_708 : vector<1x1x16xf32> to vector<16xf32>
        %add3A_710 = arith.addf %add3A_652, %get3A_709 : vector<16xf32>
        %get3A_711 = arith.constant 1 : i32
        %get3A_712 = arith.index_cast %get3A_711 : i32 to index
        %get3A_713 = arith.index_cast %scan3A_675 : i32 to index
        %get3A_714 = arith.constant 80 : index
        %get3A_715 = tpu.vector_load %arg7[%get3A_712, %get3A_713, %get3A_714] {strides = array<i32>} : memref<4x200x128xf32, #tpu.memory_space<vmem>>, vector<1x1x16xf32>,
        %get3A_716 = vector.shape_cast %get3A_715 : vector<1x1x16xf32> to vector<16xf32>
        %add3A_717 = arith.addf %add3A_659, %get3A_716 : vector<16xf32>
        %get3A_718 = arith.constant 1 : i32
        %get3A_719 = arith.index_cast %get3A_718 : i32 to index
        %get3A_720 = arith.index_cast %scan3A_675 : i32 to index
        %get3A_721 = arith.constant 96 : index
        %get3A_722 = tpu.vector_load %arg7[%get3A_719, %get3A_720, %get3A_721] {strides = array<i32>} : memref<4x200x128xf32, #tpu.memory_space<vmem>>, vector<1x1x16xf32>,
        %get3A_723 = vector.shape_cast %get3A_722 : vector<1x1x16xf32> to vector<16xf32>
        %add3A_724 = arith.addf %add3A_666, %get3A_723 : vector<16xf32>
        %get3A_725 = arith.constant 1 : i32
        %get3A_726 = arith.index_cast %get3A_725 : i32 to index
        %get3A_727 = arith.index_cast %scan3A_675 : i32 to index
        %get3A_728 = arith.constant 112 : index
        %get3A_729 = tpu.vector_load %arg7[%get3A_726, %get3A_727, %get3A_728] {strides = array<i32>} : memref<4x200x128xf32, #tpu.memory_space<vmem>>, vector<1x1x16xf32>,
        %get3A_730 = vector.shape_cast %get3A_729 : vector<1x1x16xf32> to vector<16xf32>
        %add3A_731 = arith.addf %add3A_673, %get3A_730 : vector<16xf32>
        scf.yield %add3A_682, %add3A_689, %add3A_696, %add3A_703, %add3A_710, %add3A_717, %add3A_724, %add3A_731 : vector<16xf32>, vector<16xf32>, vector<16xf32>, vector<16xf32>, vector<16xf32>, vector<16xf32>, vector<16xf32>, vector<16xf32>
      }
      %scan3A_277 = arith.constant 200 : i32
      %swap3A_278 = arith.index_cast %add3A_231 : i32 to index
      %swap3A_279 = arith.constant 0 : index
      %swap3A_280 = tpu.vector_load %arg8[%swap3A_278, %swap3A_279] {strides = array<i32>} : memref<32x128xf32, #tpu.memory_space<vmem>>, vector<1x16xf32>,
      %swap3A_281 = vector.shape_cast %swap3A_280 : vector<1x16xf32> to vector<16xf32>
      %swap3A_282 = vector.shape_cast %scan3A_276#0 : vector<16xf32> to vector<1x16xf32>
      tpu.vector_store %arg8[%swap3A_278, %swap3A_279], %swap3A_282 {strides = array<i32>} : memref<32x128xf32, #tpu.memory_space<vmem>>, vector<1x16xf32>,
      %swap3A_283 = arith.index_cast %add3A_231 : i32 to index
      %swap3A_284 = arith.constant 16 : index
      %swap3A_285 = tpu.vector_load %arg8[%swap3A_283, %swap3A_284] {strides = array<i32>} : memref<32x128xf32, #tpu.memory_space<vmem>>, vector<1x16xf32>,
      %swap3A_286 = vector.shape_cast %swap3A_285 : vector<1x16xf32> to vector<16xf32>
      %swap3A_287 = vector.shape_cast %scan3A_276#1 : vector<16xf32> to vector<1x16xf32>
      tpu.vector_store %arg8[%swap3A_283, %swap3A_284], %swap3A_287 {strides = array<i32>} : memref<32x128xf32, #tpu.memory_space<vmem>>, vector<1x16xf32>,
      %swap3A_288 = arith.index_cast %add3A_231 : i32 to index
      %swap3A_289 = arith.constant 32 : index
      %swap3A_290 = tpu.vector_load %arg8[%swap3A_288, %swap3A_289] {strides = array<i32>} : memref<32x128xf32, #tpu.memory_space<vmem>>, vector<1x16xf32>,
      %swap3A_291 = vector.shape_cast %swap3A_290 : vector<1x16xf32> to vector<16xf32>
      %swap3A_292 = vector.shape_cast %scan3A_276#2 : vector<16xf32> to vector<1x16xf32>
      tpu.vector_store %arg8[%swap3A_288, %swap3A_289], %swap3A_292 {strides = array<i32>} : memref<32x128xf32, #tpu.memory_space<vmem>>, vector<1x16xf32>,
      %swap3A_293 = arith.index_cast %add3A_231 : i32 to index
      %swap3A_294 = arith.constant 48 : index
      %swap3A_295 = tpu.vector_load %arg8[%swap3A_293, %swap3A_294] {strides = array<i32>} : memref<32x128xf32, #tpu.memory_space<vmem>>, vector<1x16xf32>,
      %swap3A_296 = vector.shape_cast %swap3A_295 : vector<1x16xf32> to vector<16xf32>
      %swap3A_297 = vector.shape_cast %scan3A_276#3 : vector<16xf32> to vector<1x16xf32>
      tpu.vector_store %arg8[%swap3A_293, %swap3A_294], %swap3A_297 {strides = array<i32>} : memref<32x128xf32, #tpu.memory_space<vmem>>, vector<1x16xf32>,
      %swap3A_298 = arith.index_cast %add3A_231 : i32 to index
      %swap3A_299 = arith.constant 64 : index
      %swap3A_300 = tpu.vector_load %arg8[%swap3A_298, %swap3A_299] {strides = array<i32>} : memref<32x128xf32, #tpu.memory_space<vmem>>, vector<1x16xf32>,
      %swap3A_301 = vector.shape_cast %swap3A_300 : vector<1x16xf32> to vector<16xf32>
      %swap3A_302 = vector.shape_cast %scan3A_276#4 : vector<16xf32> to vector<1x16xf32>
      tpu.vector_store %arg8[%swap3A_298, %swap3A_299], %swap3A_302 {strides = array<i32>} : memref<32x128xf32, #tpu.memory_space<vmem>>, vector<1x16xf32>,
      %swap3A_303 = arith.index_cast %add3A_231 : i32 to index
      %swap3A_304 = arith.constant 80 : index
      %swap3A_305 = tpu.vector_load %arg8[%swap3A_303, %swap3A_304] {strides = array<i32>} : memref<32x128xf32, #tpu.memory_space<vmem>>, vector<1x16xf32>,
      %swap3A_306 = vector.shape_cast %swap3A_305 : vector<1x16xf32> to vector<16xf32>
      %swap3A_307 = vector.shape_cast %scan3A_276#5 : vector<16xf32> to vector<1x16xf32>
      tpu.vector_store %arg8[%swap3A_303, %swap3A_304], %swap3A_307 {strides = array<i32>} : memref<32x128xf32, #tpu.memory_space<vmem>>, vector<1x16xf32>,
      %swap3A_308 = arith.index_cast %add3A_231 : i32 to index
      %swap3A_309 = arith.constant 96 : index
      %swap3A_310 = tpu.vector_load %arg8[%swap3A_308, %swap3A_309] {strides = array<i32>} : memref<32x128xf32, #tpu.memory_space<vmem>>, vector<1x16xf32>,
      %swap3A_311 = vector.shape_cast %swap3A_310 : vector<1x16xf32> to vector<16xf32>
      %swap3A_312 = vector.shape_cast %scan3A_276#6 : vector<16xf32> to vector<1x16xf32>
      tpu.vector_store %arg8[%swap3A_308, %swap3A_309], %swap3A_312 {strides = array<i32>} : memref<32x128xf32, #tpu.memory_space<vmem>>, vector<1x16xf32>,
      %swap3A_313 = arith.index_cast %add3A_231 : i32 to index
      %swap3A_314 = arith.constant 112 : index
      %swap3A_315 = tpu.vector_load %arg8[%swap3A_313, %swap3A_314] {strides = array<i32>} : memref<32x128xf32, #tpu.memory_space<vmem>>, vector<1x16xf32>,
      %swap3A_316 = vector.shape_cast %swap3A_315 : vector<1x16xf32> to vector<16xf32>
      %swap3A_317 = vector.shape_cast %scan3A_276#7 : vector<16xf32> to vector<1x16xf32>
      tpu.vector_store %arg8[%swap3A_313, %swap3A_314], %swap3A_317 {strides = array<i32>} : memref<32x128xf32, #tpu.memory_space<vmem>>, vector<1x16xf32>,
      %add3A_318 = arith.constant 2 : i32
      %add3A_319 = arith.addi %add3A_146, %add3A_318 : i32
      %dma_wait3A_320 = arith.constant 2 : i32
      %dma_wait3A_321 = arith.constant 0 : i32
      %dma_wait3A_322 = arith.constant 0 : i32
      %dma_wait3A_323 = tpu.memref_slice %arg7[%dma_wait3A_320, %dma_wait3A_321, %dma_wait3A_322] : memref<4x200x128xf32, #tpu.memory_space<vmem>> -> memref<1x200x128xf32, #tpu.memory_space<vmem>>
      %dma_wait3A_324 = tpu.memref_squeeze %dma_wait3A_323 : memref<1x200x128xf32, #tpu.memory_space<vmem>> -> memref<200x128xf32, #tpu.memory_space<vmem>>
      %dma_wait3A_325 = arith.constant 0 : i32
      %dma_wait3A_326 = arith.constant 0 : i32
      %dma_wait3A_327 = tpu.memref_slice %arg3[%dma_wait3A_325, %dma_wait3A_326] : memref<100000x128xf32, #tpu.memory_space<hbm>> -> memref<200x128xf32, #tpu.memory_space<hbm>>
      %dma_wait3A_328 = arith.constant 0 : i32
      %dma_wait3A_329 = arith.constant 0 : i32
      %dma_wait3A_330 = tpu.memref_slice %arg7[%dma_wait3A_320, %dma_wait3A_328, %dma_wait3A_329] : memref<4x200x128xf32, #tpu.memory_space<vmem>> -> memref<1x200x128xf32, #tpu.memory_space<vmem>>
      %dma_wait3A_331 = tpu.memref_squeeze %dma_wait3A_330 : memref<1x200x128xf32, #tpu.memory_space<vmem>> -> memref<200x128xf32, #tpu.memory_space<vmem>>
      %dma_wait3A_332 = arith.constant 0 : i32
      %dma_wait3A_333 = arith.constant 0 : i32
      %dma_wait3A_334 = tpu.memref_slice %arg3[%dma_wait3A_332, %dma_wait3A_333] : memref<100000x128xf32, #tpu.memory_space<hbm>> -> memref<200x128xf32, #tpu.memory_space<hbm>>
      tpu.wait_dma2 semaphore(%arg11 : memref<!tpu.dma_semaphore, #tpu.memory_space<semaphore_mem>>) src(%dma_wait3A_334 : memref<200x128xf32, #tpu.memory_space<hbm>>) dst(%dma_wait3A_331 : memref<200x128xf32, #tpu.memory_space<vmem>>)
      %add3A_335 = arith.constant 4 : i32
      %add3A_336 = arith.addi %add3A_319, %add3A_335 : i32
      %sub3A_337 = arith.constant 1 : i32
      %sub3A_338 = arith.subi %add3A_336, %sub3A_337 : i32
      %lt3A_339 = arith.constant 32 : i32
      %lt3A_340 = arith.cmpi slt, %sub3A_338, %lt3A_339 : i32
      %convert_element_type3A_341 = arith.extui %lt3A_340 : i1 to i32
      %cond3A_342 = arith.constant 0 : i32
      %cond3A_343 = arith.cmpi ne, %convert_element_type3A_341, %cond3A_342 : i32
      scf.if %cond3A_343 {
        %add3A_494 = arith.constant 4 : i32
        %add3A_495 = arith.addi %add3A_319, %add3A_494 : i32
        %sub3A_496 = arith.constant 1 : i32
        %sub3A_497 = arith.subi %add3A_495, %sub3A_496 : i32
        %mul3A_498 = arith.constant 200 : i32
        %mul3A_499 = arith.muli %sub3A_497, %mul3A_498 : i32
        %add3A_500 = arith.constant 0 : i32
        %add3A_501 = arith.addi %mul3A_499, %add3A_500 : i32
        %multiple_of3A_502 = tpu.assume_multiple %add3A_501, 8 : i32
        %dma_start3A_503 = arith.constant 1 : i32
        %dma_start3A_504 = arith.constant 0 : i32
        %dma_start3A_505 = arith.constant 0 : i32
        %dma_start3A_506 = tpu.memref_slice %arg7[%dma_start3A_503, %dma_start3A_504, %dma_start3A_505] : memref<4x200x128xf32, #tpu.memory_space<vmem>> -> memref<1x56x128xf32, #tpu.memory_space<vmem>>
        %dma_start3A_507 = tpu.memref_squeeze %dma_start3A_506 : memref<1x56x128xf32, #tpu.memory_space<vmem>> -> memref<56x128xf32, #tpu.memory_space<vmem>>
        %dma_start3A_508 = tpu.memref_slice %arg6[%multiple_of3A_502] : memref<6400xi32, #tpu.memory_space<vmem>> -> memref<56xi32, #tpu.memory_space<vmem>>
        %dma_start3A_509 = arith.constant 0 : i32
        %dma_start3A_510 = arith.constant 0 : i32
        %dma_start3A_511 = tpu.memref_slice %arg3[%dma_start3A_509, %dma_start3A_510] : memref<100000x128xf32, #tpu.memory_space<hbm>> -> memref<100000x128xf32, #tpu.memory_space<hbm>>
        tpu.enqueue_indirect_dma source(%dma_start3A_511 : memref<100000x128xf32, #tpu.memory_space<hbm>>) target(%dma_start3A_507 : memref<56x128xf32, #tpu.memory_space<vmem>>) offsets(%dma_start3A_508 : memref<56xi32, #tpu.memory_space<vmem>>) semaphore(%arg10 : memref<!tpu.dma_semaphore, #tpu.memory_space<semaphore_mem>>)
        %mul3A_512 = arith.constant 200 : i32
        %mul3A_513 = arith.muli %sub3A_497, %mul3A_512 : i32
        %add3A_514 = arith.constant 56 : i32
        %add3A_515 = arith.addi %mul3A_513, %add3A_514 : i32
        %multiple_of3A_516 = tpu.assume_multiple %add3A_515, 8 : i32
        %dma_start3A_517 = arith.constant 1 : i32
        %dma_start3A_518 = arith.constant 56 : i32
        %dma_start3A_519 = arith.constant 0 : i32
        %dma_start3A_520 = tpu.memref_slice %arg7[%dma_start3A_517, %dma_start3A_518, %dma_start3A_519] : memref<4x200x128xf32, #tpu.memory_space<vmem>> -> memref<1x56x128xf32, #tpu.memory_space<vmem>>
        %dma_start3A_521 = tpu.memref_squeeze %dma_start3A_520 : memref<1x56x128xf32, #tpu.memory_space<vmem>> -> memref<56x128xf32, #tpu.memory_space<vmem>>
        %dma_start3A_522 = tpu.memref_slice %arg6[%multiple_of3A_516] : memref<6400xi32, #tpu.memory_space<vmem>> -> memref<56xi32, #tpu.memory_space<vmem>>
        %dma_start3A_523 = arith.constant 0 : i32
        %dma_start3A_524 = arith.constant 0 : i32
        %dma_start3A_525 = tpu.memref_slice %arg3[%dma_start3A_523, %dma_start3A_524] : memref<100000x128xf32, #tpu.memory_space<hbm>> -> memref<100000x128xf32, #tpu.memory_space<hbm>>
        tpu.enqueue_indirect_dma source(%dma_start3A_525 : memref<100000x128xf32, #tpu.memory_space<hbm>>) target(%dma_start3A_521 : memref<56x128xf32, #tpu.memory_space<vmem>>) offsets(%dma_start3A_522 : memref<56xi32, #tpu.memory_space<vmem>>) semaphore(%arg10 : memref<!tpu.dma_semaphore, #tpu.memory_space<semaphore_mem>>)
        %mul3A_526 = arith.constant 200 : i32
        %mul3A_527 = arith.muli %sub3A_497, %mul3A_526 : i32
        %add3A_528 = arith.constant 112 : i32
        %add3A_529 = arith.addi %mul3A_527, %add3A_528 : i32
        %multiple_of3A_530 = tpu.assume_multiple %add3A_529, 8 : i32
        %dma_start3A_531 = arith.constant 1 : i32
        %dma_start3A_532 = arith.constant 112 : i32
        %dma_start3A_533 = arith.constant 0 : i32
        %dma_start3A_534 = tpu.memref_slice %arg7[%dma_start3A_531, %dma_start3A_532, %dma_start3A_533] : memref<4x200x128xf32, #tpu.memory_space<vmem>> -> memref<1x56x128xf32, #tpu.memory_space<vmem>>
        %dma_start3A_535 = tpu.memref_squeeze %dma_start3A_534 : memref<1x56x128xf32, #tpu.memory_space<vmem>> -> memref<56x128xf32, #tpu.memory_space<vmem>>
        %dma_start3A_536 = tpu.memref_slice %arg6[%multiple_of3A_530] : memref<6400xi32, #tpu.memory_space<vmem>> -> memref<56xi32, #tpu.memory_space<vmem>>
        %dma_start3A_537 = arith.constant 0 : i32
        %dma_start3A_538 = arith.constant 0 : i32
        %dma_start3A_539 = tpu.memref_slice %arg3[%dma_start3A_537, %dma_start3A_538] : memref<100000x128xf32, #tpu.memory_space<hbm>> -> memref<100000x128xf32, #tpu.memory_space<hbm>>
        tpu.enqueue_indirect_dma source(%dma_start3A_539 : memref<100000x128xf32, #tpu.memory_space<hbm>>) target(%dma_start3A_535 : memref<56x128xf32, #tpu.memory_space<vmem>>) offsets(%dma_start3A_536 : memref<56xi32, #tpu.memory_space<vmem>>) semaphore(%arg10 : memref<!tpu.dma_semaphore, #tpu.memory_space<semaphore_mem>>)
        %mul3A_540 = arith.constant 200 : i32
        %mul3A_541 = arith.muli %sub3A_497, %mul3A_540 : i32
        %add3A_542 = arith.constant 168 : i32
        %add3A_543 = arith.addi %mul3A_541, %add3A_542 : i32
        %multiple_of3A_544 = tpu.assume_multiple %add3A_543, 8 : i32
        %dma_start3A_545 = arith.constant 1 : i32
        %dma_start3A_546 = arith.constant 168 : i32
        %dma_start3A_547 = arith.constant 0 : i32
        %dma_start3A_548 = tpu.memref_slice %arg7[%dma_start3A_545, %dma_start3A_546, %dma_start3A_547] : memref<4x200x128xf32, #tpu.memory_space<vmem>> -> memref<1x32x128xf32, #tpu.memory_space<vmem>>
        %dma_start3A_549 = tpu.memref_squeeze %dma_start3A_548 : memref<1x32x128xf32, #tpu.memory_space<vmem>> -> memref<32x128xf32, #tpu.memory_space<vmem>>
        %dma_start3A_550 = tpu.memref_slice %arg6[%multiple_of3A_544] : memref<6400xi32, #tpu.memory_space<vmem>> -> memref<32xi32, #tpu.memory_space<vmem>>
        %dma_start3A_551 = arith.constant 0 : i32
        %dma_start3A_552 = arith.constant 0 : i32
        %dma_start3A_553 = tpu.memref_slice %arg3[%dma_start3A_551, %dma_start3A_552] : memref<100000x128xf32, #tpu.memory_space<hbm>> -> memref<100000x128xf32, #tpu.memory_space<hbm>>
        tpu.enqueue_indirect_dma source(%dma_start3A_553 : memref<100000x128xf32, #tpu.memory_space<hbm>>) target(%dma_start3A_549 : memref<32x128xf32, #tpu.memory_space<vmem>>) offsets(%dma_start3A_550 : memref<32xi32, #tpu.memory_space<vmem>>) semaphore(%arg10 : memref<!tpu.dma_semaphore, #tpu.memory_space<semaphore_mem>>)
      } else {
      }
      %broadcast_in_dim3A_344 = arith.constant 0.000000e+00 : f32
      %broadcast_in_dim3A_345 = vector.broadcast %broadcast_in_dim3A_344 : f32 to vector<16xf32>
      %broadcast_in_dim3A_346 = arith.constant 0.000000e+00 : f32
      %broadcast_in_dim3A_347 = vector.broadcast %broadcast_in_dim3A_346 : f32 to vector<16xf32>
      %broadcast_in_dim3A_348 = arith.constant 0.000000e+00 : f32
      %broadcast_in_dim3A_349 = vector.broadcast %broadcast_in_dim3A_348 : f32 to vector<16xf32>
      %broadcast_in_dim3A_350 = arith.constant 0.000000e+00 : f32
      %broadcast_in_dim3A_351 = vector.broadcast %broadcast_in_dim3A_350 : f32 to vector<16xf32>
      %broadcast_in_dim3A_352 = arith.constant 0.000000e+00 : f32
      %broadcast_in_dim3A_353 = vector.broadcast %broadcast_in_dim3A_352 : f32 to vector<16xf32>
      %broadcast_in_dim3A_354 = arith.constant 0.000000e+00 : f32
      %broadcast_in_dim3A_355 = vector.broadcast %broadcast_in_dim3A_354 : f32 to vector<16xf32>
      %broadcast_in_dim3A_356 = arith.constant 0.000000e+00 : f32
      %broadcast_in_dim3A_357 = vector.broadcast %broadcast_in_dim3A_356 : f32 to vector<16xf32>
      %broadcast_in_dim3A_358 = arith.constant 0.000000e+00 : f32
      %broadcast_in_dim3A_359 = vector.broadcast %broadcast_in_dim3A_358 : f32 to vector<16xf32>
      %scan3A_360 = arith.constant 0 : i32
      %scan3A_361 = arith.constant 200 : i32
      %scan3A_362 = arith.addi %scan3A_360, %scan3A_361 : i32
      %scan3A_363 = arith.constant 4 : i32
      %scan3A_364:8 = scf.for %scan3A_494 = %scan3A_360 to %scan3A_362 step %scan3A_363 iter_args(%scan3A_495 = %broadcast_in_dim3A_345, %scan3A_496 = %broadcast_in_dim3A_347, %scan3A_497 = %broadcast_in_dim3A_349, %scan3A_498 = %broadcast_in_dim3A_351, %scan3A_499 = %broadcast_in_dim3A_353, %scan3A_500 = %broadcast_in_dim3A_355, %scan3A_501 = %broadcast_in_dim3A_357, %scan3A_502 = %broadcast_in_dim3A_359) -> (vector<16xf32>, vector<16xf32>, vector<16xf32>, vector<16xf32>, vector<16xf32>, vector<16xf32>, vector<16xf32>, vector<16xf32>)  : i32 {
        %get3A = arith.constant 2 : i32
        %get3A_503 = arith.index_cast %get3A : i32 to index
        %get3A_504 = arith.index_cast %scan3A_494 : i32 to index
        %get3A_505 = arith.constant 0 : index
        %get3A_506 = tpu.vector_load %arg7[%get3A_503, %get3A_504, %get3A_505] {strides = array<i32>} : memref<4x200x128xf32, #tpu.memory_space<vmem>>, vector<1x1x16xf32>,
        %get3A_507 = vector.shape_cast %get3A_506 : vector<1x1x16xf32> to vector<16xf32>
        %add3A_508 = arith.addf %scan3A_495, %get3A_507 : vector<16xf32>
        %get3A_509 = arith.constant 2 : i32
        %get3A_510 = arith.index_cast %get3A_509 : i32 to index
        %get3A_511 = arith.index_cast %scan3A_494 : i32 to index
        %get3A_512 = arith.constant 16 : index
        %get3A_513 = tpu.vector_load %arg7[%get3A_510, %get3A_511, %get3A_512] {strides = array<i32>} : memref<4x200x128xf32, #tpu.memory_space<vmem>>, vector<1x1x16xf32>,
        %get3A_514 = vector.shape_cast %get3A_513 : vector<1x1x16xf32> to vector<16xf32>
        %add3A_515 = arith.addf %scan3A_496, %get3A_514 : vector<16xf32>
        %get3A_516 = arith.constant 2 : i32
        %get3A_517 = arith.index_cast %get3A_516 : i32 to index
        %get3A_518 = arith.index_cast %scan3A_494 : i32 to index
        %get3A_519 = arith.constant 32 : index
        %get3A_520 = tpu.vector_load %arg7[%get3A_517, %get3A_518, %get3A_519] {strides = array<i32>} : memref<4x200x128xf32, #tpu.memory_space<vmem>>, vector<1x1x16xf32>,
        %get3A_521 = vector.shape_cast %get3A_520 : vector<1x1x16xf32> to vector<16xf32>
        %add3A_522 = arith.addf %scan3A_497, %get3A_521 : vector<16xf32>
        %get3A_523 = arith.constant 2 : i32
        %get3A_524 = arith.index_cast %get3A_523 : i32 to index
        %get3A_525 = arith.index_cast %scan3A_494 : i32 to index
        %get3A_526 = arith.constant 48 : index
        %get3A_527 = tpu.vector_load %arg7[%get3A_524, %get3A_525, %get3A_526] {strides = array<i32>} : memref<4x200x128xf32, #tpu.memory_space<vmem>>, vector<1x1x16xf32>,
        %get3A_528 = vector.shape_cast %get3A_527 : vector<1x1x16xf32> to vector<16xf32>
        %add3A_529 = arith.addf %scan3A_498, %get3A_528 : vector<16xf32>
        %get3A_530 = arith.constant 2 : i32
        %get3A_531 = arith.index_cast %get3A_530 : i32 to index
        %get3A_532 = arith.index_cast %scan3A_494 : i32 to index
        %get3A_533 = arith.constant 64 : index
        %get3A_534 = tpu.vector_load %arg7[%get3A_531, %get3A_532, %get3A_533] {strides = array<i32>} : memref<4x200x128xf32, #tpu.memory_space<vmem>>, vector<1x1x16xf32>,
        %get3A_535 = vector.shape_cast %get3A_534 : vector<1x1x16xf32> to vector<16xf32>
        %add3A_536 = arith.addf %scan3A_499, %get3A_535 : vector<16xf32>
        %get3A_537 = arith.constant 2 : i32
        %get3A_538 = arith.index_cast %get3A_537 : i32 to index
        %get3A_539 = arith.index_cast %scan3A_494 : i32 to index
        %get3A_540 = arith.constant 80 : index
        %get3A_541 = tpu.vector_load %arg7[%get3A_538, %get3A_539, %get3A_540] {strides = array<i32>} : memref<4x200x128xf32, #tpu.memory_space<vmem>>, vector<1x1x16xf32>,
        %get3A_542 = vector.shape_cast %get3A_541 : vector<1x1x16xf32> to vector<16xf32>
        %add3A_543 = arith.addf %scan3A_500, %get3A_542 : vector<16xf32>
        %get3A_544 = arith.constant 2 : i32
        %get3A_545 = arith.index_cast %get3A_544 : i32 to index
        %get3A_546 = arith.index_cast %scan3A_494 : i32 to index
        %get3A_547 = arith.constant 96 : index
        %get3A_548 = tpu.vector_load %arg7[%get3A_545, %get3A_546, %get3A_547] {strides = array<i32>} : memref<4x200x128xf32, #tpu.memory_space<vmem>>, vector<1x1x16xf32>,
        %get3A_549 = vector.shape_cast %get3A_548 : vector<1x1x16xf32> to vector<16xf32>
        %add3A_550 = arith.addf %scan3A_501, %get3A_549 : vector<16xf32>
        %get3A_551 = arith.constant 2 : i32
        %get3A_552 = arith.index_cast %get3A_551 : i32 to index
        %get3A_553 = arith.index_cast %scan3A_494 : i32 to index
        %get3A_554 = arith.constant 112 : index
        %get3A_555 = tpu.vector_load %arg7[%get3A_552, %get3A_553, %get3A_554] {strides = array<i32>} : memref<4x200x128xf32, #tpu.memory_space<vmem>>, vector<1x1x16xf32>,
        %get3A_556 = vector.shape_cast %get3A_555 : vector<1x1x16xf32> to vector<16xf32>
        %add3A_557 = arith.addf %scan3A_502, %get3A_556 : vector<16xf32>
        %scan3A_558 = arith.constant 1 : i32
        %scan3A_559 = arith.addi %scan3A_494, %scan3A_558 : i32
        %get3A_560 = arith.constant 2 : i32
        %get3A_561 = arith.index_cast %get3A_560 : i32 to index
        %get3A_562 = arith.index_cast %scan3A_559 : i32 to index
        %get3A_563 = arith.constant 0 : index
        %get3A_564 = tpu.vector_load %arg7[%get3A_561, %get3A_562, %get3A_563] {strides = array<i32>} : memref<4x200x128xf32, #tpu.memory_space<vmem>>, vector<1x1x16xf32>,
        %get3A_565 = vector.shape_cast %get3A_564 : vector<1x1x16xf32> to vector<16xf32>
        %add3A_566 = arith.addf %add3A_508, %get3A_565 : vector<16xf32>
        %get3A_567 = arith.constant 2 : i32
        %get3A_568 = arith.index_cast %get3A_567 : i32 to index
        %get3A_569 = arith.index_cast %scan3A_559 : i32 to index
        %get3A_570 = arith.constant 16 : index
        %get3A_571 = tpu.vector_load %arg7[%get3A_568, %get3A_569, %get3A_570] {strides = array<i32>} : memref<4x200x128xf32, #tpu.memory_space<vmem>>, vector<1x1x16xf32>,
        %get3A_572 = vector.shape_cast %get3A_571 : vector<1x1x16xf32> to vector<16xf32>
        %add3A_573 = arith.addf %add3A_515, %get3A_572 : vector<16xf32>
        %get3A_574 = arith.constant 2 : i32
        %get3A_575 = arith.index_cast %get3A_574 : i32 to index
        %get3A_576 = arith.index_cast %scan3A_559 : i32 to index
        %get3A_577 = arith.constant 32 : index
        %get3A_578 = tpu.vector_load %arg7[%get3A_575, %get3A_576, %get3A_577] {strides = array<i32>} : memref<4x200x128xf32, #tpu.memory_space<vmem>>, vector<1x1x16xf32>,
        %get3A_579 = vector.shape_cast %get3A_578 : vector<1x1x16xf32> to vector<16xf32>
        %add3A_580 = arith.addf %add3A_522, %get3A_579 : vector<16xf32>
        %get3A_581 = arith.constant 2 : i32
        %get3A_582 = arith.index_cast %get3A_581 : i32 to index
        %get3A_583 = arith.index_cast %scan3A_559 : i32 to index
        %get3A_584 = arith.constant 48 : index
        %get3A_585 = tpu.vector_load %arg7[%get3A_582, %get3A_583, %get3A_584] {strides = array<i32>} : memref<4x200x128xf32, #tpu.memory_space<vmem>>, vector<1x1x16xf32>,
        %get3A_586 = vector.shape_cast %get3A_585 : vector<1x1x16xf32> to vector<16xf32>
        %add3A_587 = arith.addf %add3A_529, %get3A_586 : vector<16xf32>
        %get3A_588 = arith.constant 2 : i32
        %get3A_589 = arith.index_cast %get3A_588 : i32 to index
        %get3A_590 = arith.index_cast %scan3A_559 : i32 to index
        %get3A_591 = arith.constant 64 : index
        %get3A_592 = tpu.vector_load %arg7[%get3A_589, %get3A_590, %get3A_591] {strides = array<i32>} : memref<4x200x128xf32, #tpu.memory_space<vmem>>, vector<1x1x16xf32>,
        %get3A_593 = vector.shape_cast %get3A_592 : vector<1x1x16xf32> to vector<16xf32>
        %add3A_594 = arith.addf %add3A_536, %get3A_593 : vector<16xf32>
        %get3A_595 = arith.constant 2 : i32
        %get3A_596 = arith.index_cast %get3A_595 : i32 to index
        %get3A_597 = arith.index_cast %scan3A_559 : i32 to index
        %get3A_598 = arith.constant 80 : index
        %get3A_599 = tpu.vector_load %arg7[%get3A_596, %get3A_597, %get3A_598] {strides = array<i32>} : memref<4x200x128xf32, #tpu.memory_space<vmem>>, vector<1x1x16xf32>,
        %get3A_600 = vector.shape_cast %get3A_599 : vector<1x1x16xf32> to vector<16xf32>
        %add3A_601 = arith.addf %add3A_543, %get3A_600 : vector<16xf32>
        %get3A_602 = arith.constant 2 : i32
        %get3A_603 = arith.index_cast %get3A_602 : i32 to index
        %get3A_604 = arith.index_cast %scan3A_559 : i32 to index
        %get3A_605 = arith.constant 96 : index
        %get3A_606 = tpu.vector_load %arg7[%get3A_603, %get3A_604, %get3A_605] {strides = array<i32>} : memref<4x200x128xf32, #tpu.memory_space<vmem>>, vector<1x1x16xf32>,
        %get3A_607 = vector.shape_cast %get3A_606 : vector<1x1x16xf32> to vector<16xf32>
        %add3A_608 = arith.addf %add3A_550, %get3A_607 : vector<16xf32>
        %get3A_609 = arith.constant 2 : i32
        %get3A_610 = arith.index_cast %get3A_609 : i32 to index
        %get3A_611 = arith.index_cast %scan3A_559 : i32 to index
        %get3A_612 = arith.constant 112 : index
        %get3A_613 = tpu.vector_load %arg7[%get3A_610, %get3A_611, %get3A_612] {strides = array<i32>} : memref<4x200x128xf32, #tpu.memory_space<vmem>>, vector<1x1x16xf32>,
        %get3A_614 = vector.shape_cast %get3A_613 : vector<1x1x16xf32> to vector<16xf32>
        %add3A_615 = arith.addf %add3A_557, %get3A_614 : vector<16xf32>
        %scan3A_616 = arith.constant 2 : i32
        %scan3A_617 = arith.addi %scan3A_494, %scan3A_616 : i32
        %get3A_618 = arith.constant 2 : i32
        %get3A_619 = arith.index_cast %get3A_618 : i32 to index
        %get3A_620 = arith.index_cast %scan3A_617 : i32 to index
        %get3A_621 = arith.constant 0 : index
        %get3A_622 = tpu.vector_load %arg7[%get3A_619, %get3A_620, %get3A_621] {strides = array<i32>} : memref<4x200x128xf32, #tpu.memory_space<vmem>>, vector<1x1x16xf32>,
        %get3A_623 = vector.shape_cast %get3A_622 : vector<1x1x16xf32> to vector<16xf32>
        %add3A_624 = arith.addf %add3A_566, %get3A_623 : vector<16xf32>
        %get3A_625 = arith.constant 2 : i32
        %get3A_626 = arith.index_cast %get3A_625 : i32 to index
        %get3A_627 = arith.index_cast %scan3A_617 : i32 to index
        %get3A_628 = arith.constant 16 : index
        %get3A_629 = tpu.vector_load %arg7[%get3A_626, %get3A_627, %get3A_628] {strides = array<i32>} : memref<4x200x128xf32, #tpu.memory_space<vmem>>, vector<1x1x16xf32>,
        %get3A_630 = vector.shape_cast %get3A_629 : vector<1x1x16xf32> to vector<16xf32>
        %add3A_631 = arith.addf %add3A_573, %get3A_630 : vector<16xf32>
        %get3A_632 = arith.constant 2 : i32
        %get3A_633 = arith.index_cast %get3A_632 : i32 to index
        %get3A_634 = arith.index_cast %scan3A_617 : i32 to index
        %get3A_635 = arith.constant 32 : index
        %get3A_636 = tpu.vector_load %arg7[%get3A_633, %get3A_634, %get3A_635] {strides = array<i32>} : memref<4x200x128xf32, #tpu.memory_space<vmem>>, vector<1x1x16xf32>,
        %get3A_637 = vector.shape_cast %get3A_636 : vector<1x1x16xf32> to vector<16xf32>
        %add3A_638 = arith.addf %add3A_580, %get3A_637 : vector<16xf32>
        %get3A_639 = arith.constant 2 : i32
        %get3A_640 = arith.index_cast %get3A_639 : i32 to index
        %get3A_641 = arith.index_cast %scan3A_617 : i32 to index
        %get3A_642 = arith.constant 48 : index
        %get3A_643 = tpu.vector_load %arg7[%get3A_640, %get3A_641, %get3A_642] {strides = array<i32>} : memref<4x200x128xf32, #tpu.memory_space<vmem>>, vector<1x1x16xf32>,
        %get3A_644 = vector.shape_cast %get3A_643 : vector<1x1x16xf32> to vector<16xf32>
        %add3A_645 = arith.addf %add3A_587, %get3A_644 : vector<16xf32>
        %get3A_646 = arith.constant 2 : i32
        %get3A_647 = arith.index_cast %get3A_646 : i32 to index
        %get3A_648 = arith.index_cast %scan3A_617 : i32 to index
        %get3A_649 = arith.constant 64 : index
        %get3A_650 = tpu.vector_load %arg7[%get3A_647, %get3A_648, %get3A_649] {strides = array<i32>} : memref<4x200x128xf32, #tpu.memory_space<vmem>>, vector<1x1x16xf32>,
        %get3A_651 = vector.shape_cast %get3A_650 : vector<1x1x16xf32> to vector<16xf32>
        %add3A_652 = arith.addf %add3A_594, %get3A_651 : vector<16xf32>
        %get3A_653 = arith.constant 2 : i32
        %get3A_654 = arith.index_cast %get3A_653 : i32 to index
        %get3A_655 = arith.index_cast %scan3A_617 : i32 to index
        %get3A_656 = arith.constant 80 : index
        %get3A_657 = tpu.vector_load %arg7[%get3A_654, %get3A_655, %get3A_656] {strides = array<i32>} : memref<4x200x128xf32, #tpu.memory_space<vmem>>, vector<1x1x16xf32>,
        %get3A_658 = vector.shape_cast %get3A_657 : vector<1x1x16xf32> to vector<16xf32>
        %add3A_659 = arith.addf %add3A_601, %get3A_658 : vector<16xf32>
        %get3A_660 = arith.constant 2 : i32
        %get3A_661 = arith.index_cast %get3A_660 : i32 to index
        %get3A_662 = arith.index_cast %scan3A_617 : i32 to index
        %get3A_663 = arith.constant 96 : index
        %get3A_664 = tpu.vector_load %arg7[%get3A_661, %get3A_662, %get3A_663] {strides = array<i32>} : memref<4x200x128xf32, #tpu.memory_space<vmem>>, vector<1x1x16xf32>,
        %get3A_665 = vector.shape_cast %get3A_664 : vector<1x1x16xf32> to vector<16xf32>
        %add3A_666 = arith.addf %add3A_608, %get3A_665 : vector<16xf32>
        %get3A_667 = arith.constant 2 : i32
        %get3A_668 = arith.index_cast %get3A_667 : i32 to index
        %get3A_669 = arith.index_cast %scan3A_617 : i32 to index
        %get3A_670 = arith.constant 112 : index
        %get3A_671 = tpu.vector_load %arg7[%get3A_668, %get3A_669, %get3A_670] {strides = array<i32>} : memref<4x200x128xf32, #tpu.memory_space<vmem>>, vector<1x1x16xf32>,
        %get3A_672 = vector.shape_cast %get3A_671 : vector<1x1x16xf32> to vector<16xf32>
        %add3A_673 = arith.addf %add3A_615, %get3A_672 : vector<16xf32>
        %scan3A_674 = arith.constant 3 : i32
        %scan3A_675 = arith.addi %scan3A_494, %scan3A_674 : i32
        %get3A_676 = arith.constant 2 : i32
        %get3A_677 = arith.index_cast %get3A_676 : i32 to index
        %get3A_678 = arith.index_cast %scan3A_675 : i32 to index
        %get3A_679 = arith.constant 0 : index
        %get3A_680 = tpu.vector_load %arg7[%get3A_677, %get3A_678, %get3A_679] {strides = array<i32>} : memref<4x200x128xf32, #tpu.memory_space<vmem>>, vector<1x1x16xf32>,
        %get3A_681 = vector.shape_cast %get3A_680 : vector<1x1x16xf32> to vector<16xf32>
        %add3A_682 = arith.addf %add3A_624, %get3A_681 : vector<16xf32>
        %get3A_683 = arith.constant 2 : i32
        %get3A_684 = arith.index_cast %get3A_683 : i32 to index
        %get3A_685 = arith.index_cast %scan3A_675 : i32 to index
        %get3A_686 = arith.constant 16 : index
        %get3A_687 = tpu.vector_load %arg7[%get3A_684, %get3A_685, %get3A_686] {strides = array<i32>} : memref<4x200x128xf32, #tpu.memory_space<vmem>>, vector<1x1x16xf32>,
        %get3A_688 = vector.shape_cast %get3A_687 : vector<1x1x16xf32> to vector<16xf32>
        %add3A_689 = arith.addf %add3A_631, %get3A_688 : vector<16xf32>
        %get3A_690 = arith.constant 2 : i32
        %get3A_691 = arith.index_cast %get3A_690 : i32 to index
        %get3A_692 = arith.index_cast %scan3A_675 : i32 to index
        %get3A_693 = arith.constant 32 : index
        %get3A_694 = tpu.vector_load %arg7[%get3A_691, %get3A_692, %get3A_693] {strides = array<i32>} : memref<4x200x128xf32, #tpu.memory_space<vmem>>, vector<1x1x16xf32>,
        %get3A_695 = vector.shape_cast %get3A_694 : vector<1x1x16xf32> to vector<16xf32>
        %add3A_696 = arith.addf %add3A_638, %get3A_695 : vector<16xf32>
        %get3A_697 = arith.constant 2 : i32
        %get3A_698 = arith.index_cast %get3A_697 : i32 to index
        %get3A_699 = arith.index_cast %scan3A_675 : i32 to index
        %get3A_700 = arith.constant 48 : index
        %get3A_701 = tpu.vector_load %arg7[%get3A_698, %get3A_699, %get3A_700] {strides = array<i32>} : memref<4x200x128xf32, #tpu.memory_space<vmem>>, vector<1x1x16xf32>,
        %get3A_702 = vector.shape_cast %get3A_701 : vector<1x1x16xf32> to vector<16xf32>
        %add3A_703 = arith.addf %add3A_645, %get3A_702 : vector<16xf32>
        %get3A_704 = arith.constant 2 : i32
        %get3A_705 = arith.index_cast %get3A_704 : i32 to index
        %get3A_706 = arith.index_cast %scan3A_675 : i32 to index
        %get3A_707 = arith.constant 64 : index
        %get3A_708 = tpu.vector_load %arg7[%get3A_705, %get3A_706, %get3A_707] {strides = array<i32>} : memref<4x200x128xf32, #tpu.memory_space<vmem>>, vector<1x1x16xf32>,
        %get3A_709 = vector.shape_cast %get3A_708 : vector<1x1x16xf32> to vector<16xf32>
        %add3A_710 = arith.addf %add3A_652, %get3A_709 : vector<16xf32>
        %get3A_711 = arith.constant 2 : i32
        %get3A_712 = arith.index_cast %get3A_711 : i32 to index
        %get3A_713 = arith.index_cast %scan3A_675 : i32 to index
        %get3A_714 = arith.constant 80 : index
        %get3A_715 = tpu.vector_load %arg7[%get3A_712, %get3A_713, %get3A_714] {strides = array<i32>} : memref<4x200x128xf32, #tpu.memory_space<vmem>>, vector<1x1x16xf32>,
        %get3A_716 = vector.shape_cast %get3A_715 : vector<1x1x16xf32> to vector<16xf32>
        %add3A_717 = arith.addf %add3A_659, %get3A_716 : vector<16xf32>
        %get3A_718 = arith.constant 2 : i32
        %get3A_719 = arith.index_cast %get3A_718 : i32 to index
        %get3A_720 = arith.index_cast %scan3A_675 : i32 to index
        %get3A_721 = arith.constant 96 : index
        %get3A_722 = tpu.vector_load %arg7[%get3A_719, %get3A_720, %get3A_721] {strides = array<i32>} : memref<4x200x128xf32, #tpu.memory_space<vmem>>, vector<1x1x16xf32>,
        %get3A_723 = vector.shape_cast %get3A_722 : vector<1x1x16xf32> to vector<16xf32>
        %add3A_724 = arith.addf %add3A_666, %get3A_723 : vector<16xf32>
        %get3A_725 = arith.constant 2 : i32
        %get3A_726 = arith.index_cast %get3A_725 : i32 to index
        %get3A_727 = arith.index_cast %scan3A_675 : i32 to index
        %get3A_728 = arith.constant 112 : index
        %get3A_729 = tpu.vector_load %arg7[%get3A_726, %get3A_727, %get3A_728] {strides = array<i32>} : memref<4x200x128xf32, #tpu.memory_space<vmem>>, vector<1x1x16xf32>,
        %get3A_730 = vector.shape_cast %get3A_729 : vector<1x1x16xf32> to vector<16xf32>
        %add3A_731 = arith.addf %add3A_673, %get3A_730 : vector<16xf32>
        scf.yield %add3A_682, %add3A_689, %add3A_696, %add3A_703, %add3A_710, %add3A_717, %add3A_724, %add3A_731 : vector<16xf32>, vector<16xf32>, vector<16xf32>, vector<16xf32>, vector<16xf32>, vector<16xf32>, vector<16xf32>, vector<16xf32>
      }
      %scan3A_365 = arith.constant 200 : i32
      %swap3A_366 = arith.index_cast %add3A_319 : i32 to index
      %swap3A_367 = arith.constant 0 : index
      %swap3A_368 = tpu.vector_load %arg8[%swap3A_366, %swap3A_367] {strides = array<i32>} : memref<32x128xf32, #tpu.memory_space<vmem>>, vector<1x16xf32>,
      %swap3A_369 = vector.shape_cast %swap3A_368 : vector<1x16xf32> to vector<16xf32>
      %swap3A_370 = vector.shape_cast %scan3A_364#0 : vector<16xf32> to vector<1x16xf32>
      tpu.vector_store %arg8[%swap3A_366, %swap3A_367], %swap3A_370 {strides = array<i32>} : memref<32x128xf32, #tpu.memory_space<vmem>>, vector<1x16xf32>,
      %swap3A_371 = arith.index_cast %add3A_319 : i32 to index
      %swap3A_372 = arith.constant 16 : index
      %swap3A_373 = tpu.vector_load %arg8[%swap3A_371, %swap3A_372] {strides = array<i32>} : memref<32x128xf32, #tpu.memory_space<vmem>>, vector<1x16xf32>,
      %swap3A_374 = vector.shape_cast %swap3A_373 : vector<1x16xf32> to vector<16xf32>
      %swap3A_375 = vector.shape_cast %scan3A_364#1 : vector<16xf32> to vector<1x16xf32>
      tpu.vector_store %arg8[%swap3A_371, %swap3A_372], %swap3A_375 {strides = array<i32>} : memref<32x128xf32, #tpu.memory_space<vmem>>, vector<1x16xf32>,
      %swap3A_376 = arith.index_cast %add3A_319 : i32 to index
      %swap3A_377 = arith.constant 32 : index
      %swap3A_378 = tpu.vector_load %arg8[%swap3A_376, %swap3A_377] {strides = array<i32>} : memref<32x128xf32, #tpu.memory_space<vmem>>, vector<1x16xf32>,
      %swap3A_379 = vector.shape_cast %swap3A_378 : vector<1x16xf32> to vector<16xf32>
      %swap3A_380 = vector.shape_cast %scan3A_364#2 : vector<16xf32> to vector<1x16xf32>
      tpu.vector_store %arg8[%swap3A_376, %swap3A_377], %swap3A_380 {strides = array<i32>} : memref<32x128xf32, #tpu.memory_space<vmem>>, vector<1x16xf32>,
      %swap3A_381 = arith.index_cast %add3A_319 : i32 to index
      %swap3A_382 = arith.constant 48 : index
      %swap3A_383 = tpu.vector_load %arg8[%swap3A_381, %swap3A_382] {strides = array<i32>} : memref<32x128xf32, #tpu.memory_space<vmem>>, vector<1x16xf32>,
      %swap3A_384 = vector.shape_cast %swap3A_383 : vector<1x16xf32> to vector<16xf32>
      %swap3A_385 = vector.shape_cast %scan3A_364#3 : vector<16xf32> to vector<1x16xf32>
      tpu.vector_store %arg8[%swap3A_381, %swap3A_382], %swap3A_385 {strides = array<i32>} : memref<32x128xf32, #tpu.memory_space<vmem>>, vector<1x16xf32>,
      %swap3A_386 = arith.index_cast %add3A_319 : i32 to index
      %swap3A_387 = arith.constant 64 : index
      %swap3A_388 = tpu.vector_load %arg8[%swap3A_386, %swap3A_387] {strides = array<i32>} : memref<32x128xf32, #tpu.memory_space<vmem>>, vector<1x16xf32>,
      %swap3A_389 = vector.shape_cast %swap3A_388 : vector<1x16xf32> to vector<16xf32>
      %swap3A_390 = vector.shape_cast %scan3A_364#4 : vector<16xf32> to vector<1x16xf32>
      tpu.vector_store %arg8[%swap3A_386, %swap3A_387], %swap3A_390 {strides = array<i32>} : memref<32x128xf32, #tpu.memory_space<vmem>>, vector<1x16xf32>,
      %swap3A_391 = arith.index_cast %add3A_319 : i32 to index
      %swap3A_392 = arith.constant 80 : index
      %swap3A_393 = tpu.vector_load %arg8[%swap3A_391, %swap3A_392] {strides = array<i32>} : memref<32x128xf32, #tpu.memory_space<vmem>>, vector<1x16xf32>,
      %swap3A_394 = vector.shape_cast %swap3A_393 : vector<1x16xf32> to vector<16xf32>
      %swap3A_395 = vector.shape_cast %scan3A_364#5 : vector<16xf32> to vector<1x16xf32>
      tpu.vector_store %arg8[%swap3A_391, %swap3A_392], %swap3A_395 {strides = array<i32>} : memref<32x128xf32, #tpu.memory_space<vmem>>, vector<1x16xf32>,
      %swap3A_396 = arith.index_cast %add3A_319 : i32 to index
      %swap3A_397 = arith.constant 96 : index
      %swap3A_398 = tpu.vector_load %arg8[%swap3A_396, %swap3A_397] {strides = array<i32>} : memref<32x128xf32, #tpu.memory_space<vmem>>, vector<1x16xf32>,
      %swap3A_399 = vector.shape_cast %swap3A_398 : vector<1x16xf32> to vector<16xf32>
      %swap3A_400 = vector.shape_cast %scan3A_364#6 : vector<16xf32> to vector<1x16xf32>
      tpu.vector_store %arg8[%swap3A_396, %swap3A_397], %swap3A_400 {strides = array<i32>} : memref<32x128xf32, #tpu.memory_space<vmem>>, vector<1x16xf32>,
      %swap3A_401 = arith.index_cast %add3A_319 : i32 to index
      %swap3A_402 = arith.constant 112 : index
      %swap3A_403 = tpu.vector_load %arg8[%swap3A_401, %swap3A_402] {strides = array<i32>} : memref<32x128xf32, #tpu.memory_space<vmem>>, vector<1x16xf32>,
      %swap3A_404 = vector.shape_cast %swap3A_403 : vector<1x16xf32> to vector<16xf32>
      %swap3A_405 = vector.shape_cast %scan3A_364#7 : vector<16xf32> to vector<1x16xf32>
      tpu.vector_store %arg8[%swap3A_401, %swap3A_402], %swap3A_405 {strides = array<i32>} : memref<32x128xf32, #tpu.memory_space<vmem>>, vector<1x16xf32>,
      %add3A_406 = arith.constant 3 : i32
      %add3A_407 = arith.addi %add3A_146, %add3A_406 : i32
      %dma_wait3A_408 = arith.constant 3 : i32
      %dma_wait3A_409 = arith.constant 0 : i32
      %dma_wait3A_410 = arith.constant 0 : i32
      %dma_wait3A_411 = tpu.memref_slice %arg7[%dma_wait3A_408, %dma_wait3A_409, %dma_wait3A_410] : memref<4x200x128xf32, #tpu.memory_space<vmem>> -> memref<1x200x128xf32, #tpu.memory_space<vmem>>
      %dma_wait3A_412 = tpu.memref_squeeze %dma_wait3A_411 : memref<1x200x128xf32, #tpu.memory_space<vmem>> -> memref<200x128xf32, #tpu.memory_space<vmem>>
      %dma_wait3A_413 = arith.constant 0 : i32
      %dma_wait3A_414 = arith.constant 0 : i32
      %dma_wait3A_415 = tpu.memref_slice %arg3[%dma_wait3A_413, %dma_wait3A_414] : memref<100000x128xf32, #tpu.memory_space<hbm>> -> memref<200x128xf32, #tpu.memory_space<hbm>>
      %dma_wait3A_416 = arith.constant 0 : i32
      %dma_wait3A_417 = arith.constant 0 : i32
      %dma_wait3A_418 = tpu.memref_slice %arg7[%dma_wait3A_408, %dma_wait3A_416, %dma_wait3A_417] : memref<4x200x128xf32, #tpu.memory_space<vmem>> -> memref<1x200x128xf32, #tpu.memory_space<vmem>>
      %dma_wait3A_419 = tpu.memref_squeeze %dma_wait3A_418 : memref<1x200x128xf32, #tpu.memory_space<vmem>> -> memref<200x128xf32, #tpu.memory_space<vmem>>
      %dma_wait3A_420 = arith.constant 0 : i32
      %dma_wait3A_421 = arith.constant 0 : i32
      %dma_wait3A_422 = tpu.memref_slice %arg3[%dma_wait3A_420, %dma_wait3A_421] : memref<100000x128xf32, #tpu.memory_space<hbm>> -> memref<200x128xf32, #tpu.memory_space<hbm>>
      tpu.wait_dma2 semaphore(%arg12 : memref<!tpu.dma_semaphore, #tpu.memory_space<semaphore_mem>>) src(%dma_wait3A_422 : memref<200x128xf32, #tpu.memory_space<hbm>>) dst(%dma_wait3A_419 : memref<200x128xf32, #tpu.memory_space<vmem>>)
      %add3A_423 = arith.constant 4 : i32
      %add3A_424 = arith.addi %add3A_407, %add3A_423 : i32
      %sub3A_425 = arith.constant 1 : i32
      %sub3A_426 = arith.subi %add3A_424, %sub3A_425 : i32
      %lt3A_427 = arith.constant 32 : i32
      %lt3A_428 = arith.cmpi slt, %sub3A_426, %lt3A_427 : i32
      %convert_element_type3A_429 = arith.extui %lt3A_428 : i1 to i32
      %cond3A_430 = arith.constant 0 : i32
      %cond3A_431 = arith.cmpi ne, %convert_element_type3A_429, %cond3A_430 : i32
      scf.if %cond3A_431 {
        %add3A_494 = arith.constant 4 : i32
        %add3A_495 = arith.addi %add3A_407, %add3A_494 : i32
        %sub3A_496 = arith.constant 1 : i32
        %sub3A_497 = arith.subi %add3A_495, %sub3A_496 : i32
        %mul3A_498 = arith.constant 200 : i32
        %mul3A_499 = arith.muli %sub3A_497, %mul3A_498 : i32
        %add3A_500 = arith.constant 0 : i32
        %add3A_501 = arith.addi %mul3A_499, %add3A_500 : i32
        %multiple_of3A_502 = tpu.assume_multiple %add3A_501, 8 : i32
        %dma_start3A_503 = arith.constant 2 : i32
        %dma_start3A_504 = arith.constant 0 : i32
        %dma_start3A_505 = arith.constant 0 : i32
        %dma_start3A_506 = tpu.memref_slice %arg7[%dma_start3A_503, %dma_start3A_504, %dma_start3A_505] : memref<4x200x128xf32, #tpu.memory_space<vmem>> -> memref<1x56x128xf32, #tpu.memory_space<vmem>>
        %dma_start3A_507 = tpu.memref_squeeze %dma_start3A_506 : memref<1x56x128xf32, #tpu.memory_space<vmem>> -> memref<56x128xf32, #tpu.memory_space<vmem>>
        %dma_start3A_508 = tpu.memref_slice %arg6[%multiple_of3A_502] : memref<6400xi32, #tpu.memory_space<vmem>> -> memref<56xi32, #tpu.memory_space<vmem>>
        %dma_start3A_509 = arith.constant 0 : i32
        %dma_start3A_510 = arith.constant 0 : i32
        %dma_start3A_511 = tpu.memref_slice %arg3[%dma_start3A_509, %dma_start3A_510] : memref<100000x128xf32, #tpu.memory_space<hbm>> -> memref<100000x128xf32, #tpu.memory_space<hbm>>
        tpu.enqueue_indirect_dma source(%dma_start3A_511 : memref<100000x128xf32, #tpu.memory_space<hbm>>) target(%dma_start3A_507 : memref<56x128xf32, #tpu.memory_space<vmem>>) offsets(%dma_start3A_508 : memref<56xi32, #tpu.memory_space<vmem>>) semaphore(%arg11 : memref<!tpu.dma_semaphore, #tpu.memory_space<semaphore_mem>>)
        %mul3A_512 = arith.constant 200 : i32
        %mul3A_513 = arith.muli %sub3A_497, %mul3A_512 : i32
        %add3A_514 = arith.constant 56 : i32
        %add3A_515 = arith.addi %mul3A_513, %add3A_514 : i32
        %multiple_of3A_516 = tpu.assume_multiple %add3A_515, 8 : i32
        %dma_start3A_517 = arith.constant 2 : i32
        %dma_start3A_518 = arith.constant 56 : i32
        %dma_start3A_519 = arith.constant 0 : i32
        %dma_start3A_520 = tpu.memref_slice %arg7[%dma_start3A_517, %dma_start3A_518, %dma_start3A_519] : memref<4x200x128xf32, #tpu.memory_space<vmem>> -> memref<1x56x128xf32, #tpu.memory_space<vmem>>
        %dma_start3A_521 = tpu.memref_squeeze %dma_start3A_520 : memref<1x56x128xf32, #tpu.memory_space<vmem>> -> memref<56x128xf32, #tpu.memory_space<vmem>>
        %dma_start3A_522 = tpu.memref_slice %arg6[%multiple_of3A_516] : memref<6400xi32, #tpu.memory_space<vmem>> -> memref<56xi32, #tpu.memory_space<vmem>>
        %dma_start3A_523 = arith.constant 0 : i32
        %dma_start3A_524 = arith.constant 0 : i32
        %dma_start3A_525 = tpu.memref_slice %arg3[%dma_start3A_523, %dma_start3A_524] : memref<100000x128xf32, #tpu.memory_space<hbm>> -> memref<100000x128xf32, #tpu.memory_space<hbm>>
        tpu.enqueue_indirect_dma source(%dma_start3A_525 : memref<100000x128xf32, #tpu.memory_space<hbm>>) target(%dma_start3A_521 : memref<56x128xf32, #tpu.memory_space<vmem>>) offsets(%dma_start3A_522 : memref<56xi32, #tpu.memory_space<vmem>>) semaphore(%arg11 : memref<!tpu.dma_semaphore, #tpu.memory_space<semaphore_mem>>)
        %mul3A_526 = arith.constant 200 : i32
        %mul3A_527 = arith.muli %sub3A_497, %mul3A_526 : i32
        %add3A_528 = arith.constant 112 : i32
        %add3A_529 = arith.addi %mul3A_527, %add3A_528 : i32
        %multiple_of3A_530 = tpu.assume_multiple %add3A_529, 8 : i32
        %dma_start3A_531 = arith.constant 2 : i32
        %dma_start3A_532 = arith.constant 112 : i32
        %dma_start3A_533 = arith.constant 0 : i32
        %dma_start3A_534 = tpu.memref_slice %arg7[%dma_start3A_531, %dma_start3A_532, %dma_start3A_533] : memref<4x200x128xf32, #tpu.memory_space<vmem>> -> memref<1x56x128xf32, #tpu.memory_space<vmem>>
        %dma_start3A_535 = tpu.memref_squeeze %dma_start3A_534 : memref<1x56x128xf32, #tpu.memory_space<vmem>> -> memref<56x128xf32, #tpu.memory_space<vmem>>
        %dma_start3A_536 = tpu.memref_slice %arg6[%multiple_of3A_530] : memref<6400xi32, #tpu.memory_space<vmem>> -> memref<56xi32, #tpu.memory_space<vmem>>
        %dma_start3A_537 = arith.constant 0 : i32
        %dma_start3A_538 = arith.constant 0 : i32
        %dma_start3A_539 = tpu.memref_slice %arg3[%dma_start3A_537, %dma_start3A_538] : memref<100000x128xf32, #tpu.memory_space<hbm>> -> memref<100000x128xf32, #tpu.memory_space<hbm>>
        tpu.enqueue_indirect_dma source(%dma_start3A_539 : memref<100000x128xf32, #tpu.memory_space<hbm>>) target(%dma_start3A_535 : memref<56x128xf32, #tpu.memory_space<vmem>>) offsets(%dma_start3A_536 : memref<56xi32, #tpu.memory_space<vmem>>) semaphore(%arg11 : memref<!tpu.dma_semaphore, #tpu.memory_space<semaphore_mem>>)
        %mul3A_540 = arith.constant 200 : i32
        %mul3A_541 = arith.muli %sub3A_497, %mul3A_540 : i32
        %add3A_542 = arith.constant 168 : i32
        %add3A_543 = arith.addi %mul3A_541, %add3A_542 : i32
        %multiple_of3A_544 = tpu.assume_multiple %add3A_543, 8 : i32
        %dma_start3A_545 = arith.constant 2 : i32
        %dma_start3A_546 = arith.constant 168 : i32
        %dma_start3A_547 = arith.constant 0 : i32
        %dma_start3A_548 = tpu.memref_slice %arg7[%dma_start3A_545, %dma_start3A_546, %dma_start3A_547] : memref<4x200x128xf32, #tpu.memory_space<vmem>> -> memref<1x32x128xf32, #tpu.memory_space<vmem>>
        %dma_start3A_549 = tpu.memref_squeeze %dma_start3A_548 : memref<1x32x128xf32, #tpu.memory_space<vmem>> -> memref<32x128xf32, #tpu.memory_space<vmem>>
        %dma_start3A_550 = tpu.memref_slice %arg6[%multiple_of3A_544] : memref<6400xi32, #tpu.memory_space<vmem>> -> memref<32xi32, #tpu.memory_space<vmem>>
        %dma_start3A_551 = arith.constant 0 : i32
        %dma_start3A_552 = arith.constant 0 : i32
        %dma_start3A_553 = tpu.memref_slice %arg3[%dma_start3A_551, %dma_start3A_552] : memref<100000x128xf32, #tpu.memory_space<hbm>> -> memref<100000x128xf32, #tpu.memory_space<hbm>>
        tpu.enqueue_indirect_dma source(%dma_start3A_553 : memref<100000x128xf32, #tpu.memory_space<hbm>>) target(%dma_start3A_549 : memref<32x128xf32, #tpu.memory_space<vmem>>) offsets(%dma_start3A_550 : memref<32xi32, #tpu.memory_space<vmem>>) semaphore(%arg11 : memref<!tpu.dma_semaphore, #tpu.memory_space<semaphore_mem>>)
      } else {
      }
      %broadcast_in_dim3A_432 = arith.constant 0.000000e+00 : f32
      %broadcast_in_dim3A_433 = vector.broadcast %broadcast_in_dim3A_432 : f32 to vector<16xf32>
      %broadcast_in_dim3A_434 = arith.constant 0.000000e+00 : f32
      %broadcast_in_dim3A_435 = vector.broadcast %broadcast_in_dim3A_434 : f32 to vector<16xf32>
      %broadcast_in_dim3A_436 = arith.constant 0.000000e+00 : f32
      %broadcast_in_dim3A_437 = vector.broadcast %broadcast_in_dim3A_436 : f32 to vector<16xf32>
      %broadcast_in_dim3A_438 = arith.constant 0.000000e+00 : f32
      %broadcast_in_dim3A_439 = vector.broadcast %broadcast_in_dim3A_438 : f32 to vector<16xf32>
      %broadcast_in_dim3A_440 = arith.constant 0.000000e+00 : f32
      %broadcast_in_dim3A_441 = vector.broadcast %broadcast_in_dim3A_440 : f32 to vector<16xf32>
      %broadcast_in_dim3A_442 = arith.constant 0.000000e+00 : f32
      %broadcast_in_dim3A_443 = vector.broadcast %broadcast_in_dim3A_442 : f32 to vector<16xf32>
      %broadcast_in_dim3A_444 = arith.constant 0.000000e+00 : f32
      %broadcast_in_dim3A_445 = vector.broadcast %broadcast_in_dim3A_444 : f32 to vector<16xf32>
      %broadcast_in_dim3A_446 = arith.constant 0.000000e+00 : f32
      %broadcast_in_dim3A_447 = vector.broadcast %broadcast_in_dim3A_446 : f32 to vector<16xf32>
      %scan3A_448 = arith.constant 0 : i32
      %scan3A_449 = arith.constant 200 : i32
      %scan3A_450 = arith.addi %scan3A_448, %scan3A_449 : i32
      %scan3A_451 = arith.constant 4 : i32
      %scan3A_452:8 = scf.for %scan3A_494 = %scan3A_448 to %scan3A_450 step %scan3A_451 iter_args(%scan3A_495 = %broadcast_in_dim3A_433, %scan3A_496 = %broadcast_in_dim3A_435, %scan3A_497 = %broadcast_in_dim3A_437, %scan3A_498 = %broadcast_in_dim3A_439, %scan3A_499 = %broadcast_in_dim3A_441, %scan3A_500 = %broadcast_in_dim3A_443, %scan3A_501 = %broadcast_in_dim3A_445, %scan3A_502 = %broadcast_in_dim3A_447) -> (vector<16xf32>, vector<16xf32>, vector<16xf32>, vector<16xf32>, vector<16xf32>, vector<16xf32>, vector<16xf32>, vector<16xf32>)  : i32 {
        %get3A = arith.constant 3 : i32
        %get3A_503 = arith.index_cast %get3A : i32 to index
        %get3A_504 = arith.index_cast %scan3A_494 : i32 to index
        %get3A_505 = arith.constant 0 : index
        %get3A_506 = tpu.vector_load %arg7[%get3A_503, %get3A_504, %get3A_505] {strides = array<i32>} : memref<4x200x128xf32, #tpu.memory_space<vmem>>, vector<1x1x16xf32>,
        %get3A_507 = vector.shape_cast %get3A_506 : vector<1x1x16xf32> to vector<16xf32>
        %add3A_508 = arith.addf %scan3A_495, %get3A_507 : vector<16xf32>
        %get3A_509 = arith.constant 3 : i32
        %get3A_510 = arith.index_cast %get3A_509 : i32 to index
        %get3A_511 = arith.index_cast %scan3A_494 : i32 to index
        %get3A_512 = arith.constant 16 : index
        %get3A_513 = tpu.vector_load %arg7[%get3A_510, %get3A_511, %get3A_512] {strides = array<i32>} : memref<4x200x128xf32, #tpu.memory_space<vmem>>, vector<1x1x16xf32>,
        %get3A_514 = vector.shape_cast %get3A_513 : vector<1x1x16xf32> to vector<16xf32>
        %add3A_515 = arith.addf %scan3A_496, %get3A_514 : vector<16xf32>
        %get3A_516 = arith.constant 3 : i32
        %get3A_517 = arith.index_cast %get3A_516 : i32 to index
        %get3A_518 = arith.index_cast %scan3A_494 : i32 to index
        %get3A_519 = arith.constant 32 : index
        %get3A_520 = tpu.vector_load %arg7[%get3A_517, %get3A_518, %get3A_519] {strides = array<i32>} : memref<4x200x128xf32, #tpu.memory_space<vmem>>, vector<1x1x16xf32>,
        %get3A_521 = vector.shape_cast %get3A_520 : vector<1x1x16xf32> to vector<16xf32>
        %add3A_522 = arith.addf %scan3A_497, %get3A_521 : vector<16xf32>
        %get3A_523 = arith.constant 3 : i32
        %get3A_524 = arith.index_cast %get3A_523 : i32 to index
        %get3A_525 = arith.index_cast %scan3A_494 : i32 to index
        %get3A_526 = arith.constant 48 : index
        %get3A_527 = tpu.vector_load %arg7[%get3A_524, %get3A_525, %get3A_526] {strides = array<i32>} : memref<4x200x128xf32, #tpu.memory_space<vmem>>, vector<1x1x16xf32>,
        %get3A_528 = vector.shape_cast %get3A_527 : vector<1x1x16xf32> to vector<16xf32>
        %add3A_529 = arith.addf %scan3A_498, %get3A_528 : vector<16xf32>
        %get3A_530 = arith.constant 3 : i32
        %get3A_531 = arith.index_cast %get3A_530 : i32 to index
        %get3A_532 = arith.index_cast %scan3A_494 : i32 to index
        %get3A_533 = arith.constant 64 : index
        %get3A_534 = tpu.vector_load %arg7[%get3A_531, %get3A_532, %get3A_533] {strides = array<i32>} : memref<4x200x128xf32, #tpu.memory_space<vmem>>, vector<1x1x16xf32>,
        %get3A_535 = vector.shape_cast %get3A_534 : vector<1x1x16xf32> to vector<16xf32>
        %add3A_536 = arith.addf %scan3A_499, %get3A_535 : vector<16xf32>
        %get3A_537 = arith.constant 3 : i32
        %get3A_538 = arith.index_cast %get3A_537 : i32 to index
        %get3A_539 = arith.index_cast %scan3A_494 : i32 to index
        %get3A_540 = arith.constant 80 : index
        %get3A_541 = tpu.vector_load %arg7[%get3A_538, %get3A_539, %get3A_540] {strides = array<i32>} : memref<4x200x128xf32, #tpu.memory_space<vmem>>, vector<1x1x16xf32>,
        %get3A_542 = vector.shape_cast %get3A_541 : vector<1x1x16xf32> to vector<16xf32>
        %add3A_543 = arith.addf %scan3A_500, %get3A_542 : vector<16xf32>
        %get3A_544 = arith.constant 3 : i32
        %get3A_545 = arith.index_cast %get3A_544 : i32 to index
        %get3A_546 = arith.index_cast %scan3A_494 : i32 to index
        %get3A_547 = arith.constant 96 : index
        %get3A_548 = tpu.vector_load %arg7[%get3A_545, %get3A_546, %get3A_547] {strides = array<i32>} : memref<4x200x128xf32, #tpu.memory_space<vmem>>, vector<1x1x16xf32>,
        %get3A_549 = vector.shape_cast %get3A_548 : vector<1x1x16xf32> to vector<16xf32>
        %add3A_550 = arith.addf %scan3A_501, %get3A_549 : vector<16xf32>
        %get3A_551 = arith.constant 3 : i32
        %get3A_552 = arith.index_cast %get3A_551 : i32 to index
        %get3A_553 = arith.index_cast %scan3A_494 : i32 to index
        %get3A_554 = arith.constant 112 : index
        %get3A_555 = tpu.vector_load %arg7[%get3A_552, %get3A_553, %get3A_554] {strides = array<i32>} : memref<4x200x128xf32, #tpu.memory_space<vmem>>, vector<1x1x16xf32>,
        %get3A_556 = vector.shape_cast %get3A_555 : vector<1x1x16xf32> to vector<16xf32>
        %add3A_557 = arith.addf %scan3A_502, %get3A_556 : vector<16xf32>
        %scan3A_558 = arith.constant 1 : i32
        %scan3A_559 = arith.addi %scan3A_494, %scan3A_558 : i32
        %get3A_560 = arith.constant 3 : i32
        %get3A_561 = arith.index_cast %get3A_560 : i32 to index
        %get3A_562 = arith.index_cast %scan3A_559 : i32 to index
        %get3A_563 = arith.constant 0 : index
        %get3A_564 = tpu.vector_load %arg7[%get3A_561, %get3A_562, %get3A_563] {strides = array<i32>} : memref<4x200x128xf32, #tpu.memory_space<vmem>>, vector<1x1x16xf32>,
        %get3A_565 = vector.shape_cast %get3A_564 : vector<1x1x16xf32> to vector<16xf32>
        %add3A_566 = arith.addf %add3A_508, %get3A_565 : vector<16xf32>
        %get3A_567 = arith.constant 3 : i32
        %get3A_568 = arith.index_cast %get3A_567 : i32 to index
        %get3A_569 = arith.index_cast %scan3A_559 : i32 to index
        %get3A_570 = arith.constant 16 : index
        %get3A_571 = tpu.vector_load %arg7[%get3A_568, %get3A_569, %get3A_570] {strides = array<i32>} : memref<4x200x128xf32, #tpu.memory_space<vmem>>, vector<1x1x16xf32>,
        %get3A_572 = vector.shape_cast %get3A_571 : vector<1x1x16xf32> to vector<16xf32>
        %add3A_573 = arith.addf %add3A_515, %get3A_572 : vector<16xf32>
        %get3A_574 = arith.constant 3 : i32
        %get3A_575 = arith.index_cast %get3A_574 : i32 to index
        %get3A_576 = arith.index_cast %scan3A_559 : i32 to index
        %get3A_577 = arith.constant 32 : index
        %get3A_578 = tpu.vector_load %arg7[%get3A_575, %get3A_576, %get3A_577] {strides = array<i32>} : memref<4x200x128xf32, #tpu.memory_space<vmem>>, vector<1x1x16xf32>,
        %get3A_579 = vector.shape_cast %get3A_578 : vector<1x1x16xf32> to vector<16xf32>
        %add3A_580 = arith.addf %add3A_522, %get3A_579 : vector<16xf32>
        %get3A_581 = arith.constant 3 : i32
        %get3A_582 = arith.index_cast %get3A_581 : i32 to index
        %get3A_583 = arith.index_cast %scan3A_559 : i32 to index
        %get3A_584 = arith.constant 48 : index
        %get3A_585 = tpu.vector_load %arg7[%get3A_582, %get3A_583, %get3A_584] {strides = array<i32>} : memref<4x200x128xf32, #tpu.memory_space<vmem>>, vector<1x1x16xf32>,
        %get3A_586 = vector.shape_cast %get3A_585 : vector<1x1x16xf32> to vector<16xf32>
        %add3A_587 = arith.addf %add3A_529, %get3A_586 : vector<16xf32>
        %get3A_588 = arith.constant 3 : i32
        %get3A_589 = arith.index_cast %get3A_588 : i32 to index
        %get3A_590 = arith.index_cast %scan3A_559 : i32 to index
        %get3A_591 = arith.constant 64 : index
        %get3A_592 = tpu.vector_load %arg7[%get3A_589, %get3A_590, %get3A_591] {strides = array<i32>} : memref<4x200x128xf32, #tpu.memory_space<vmem>>, vector<1x1x16xf32>,
        %get3A_593 = vector.shape_cast %get3A_592 : vector<1x1x16xf32> to vector<16xf32>
        %add3A_594 = arith.addf %add3A_536, %get3A_593 : vector<16xf32>
        %get3A_595 = arith.constant 3 : i32
        %get3A_596 = arith.index_cast %get3A_595 : i32 to index
        %get3A_597 = arith.index_cast %scan3A_559 : i32 to index
        %get3A_598 = arith.constant 80 : index
        %get3A_599 = tpu.vector_load %arg7[%get3A_596, %get3A_597, %get3A_598] {strides = array<i32>} : memref<4x200x128xf32, #tpu.memory_space<vmem>>, vector<1x1x16xf32>,
        %get3A_600 = vector.shape_cast %get3A_599 : vector<1x1x16xf32> to vector<16xf32>
        %add3A_601 = arith.addf %add3A_543, %get3A_600 : vector<16xf32>
        %get3A_602 = arith.constant 3 : i32
        %get3A_603 = arith.index_cast %get3A_602 : i32 to index
        %get3A_604 = arith.index_cast %scan3A_559 : i32 to index
        %get3A_605 = arith.constant 96 : index
        %get3A_606 = tpu.vector_load %arg7[%get3A_603, %get3A_604, %get3A_605] {strides = array<i32>} : memref<4x200x128xf32, #tpu.memory_space<vmem>>, vector<1x1x16xf32>,
        %get3A_607 = vector.shape_cast %get3A_606 : vector<1x1x16xf32> to vector<16xf32>
        %add3A_608 = arith.addf %add3A_550, %get3A_607 : vector<16xf32>
        %get3A_609 = arith.constant 3 : i32
        %get3A_610 = arith.index_cast %get3A_609 : i32 to index
        %get3A_611 = arith.index_cast %scan3A_559 : i32 to index
        %get3A_612 = arith.constant 112 : index
        %get3A_613 = tpu.vector_load %arg7[%get3A_610, %get3A_611, %get3A_612] {strides = array<i32>} : memref<4x200x128xf32, #tpu.memory_space<vmem>>, vector<1x1x16xf32>,
        %get3A_614 = vector.shape_cast %get3A_613 : vector<1x1x16xf32> to vector<16xf32>
        %add3A_615 = arith.addf %add3A_557, %get3A_614 : vector<16xf32>
        %scan3A_616 = arith.constant 2 : i32
        %scan3A_617 = arith.addi %scan3A_494, %scan3A_616 : i32
        %get3A_618 = arith.constant 3 : i32
        %get3A_619 = arith.index_cast %get3A_618 : i32 to index
        %get3A_620 = arith.index_cast %scan3A_617 : i32 to index
        %get3A_621 = arith.constant 0 : index
        %get3A_622 = tpu.vector_load %arg7[%get3A_619, %get3A_620, %get3A_621] {strides = array<i32>} : memref<4x200x128xf32, #tpu.memory_space<vmem>>, vector<1x1x16xf32>,
        %get3A_623 = vector.shape_cast %get3A_622 : vector<1x1x16xf32> to vector<16xf32>
        %add3A_624 = arith.addf %add3A_566, %get3A_623 : vector<16xf32>
        %get3A_625 = arith.constant 3 : i32
        %get3A_626 = arith.index_cast %get3A_625 : i32 to index
        %get3A_627 = arith.index_cast %scan3A_617 : i32 to index
        %get3A_628 = arith.constant 16 : index
        %get3A_629 = tpu.vector_load %arg7[%get3A_626, %get3A_627, %get3A_628] {strides = array<i32>} : memref<4x200x128xf32, #tpu.memory_space<vmem>>, vector<1x1x16xf32>,
        %get3A_630 = vector.shape_cast %get3A_629 : vector<1x1x16xf32> to vector<16xf32>
        %add3A_631 = arith.addf %add3A_573, %get3A_630 : vector<16xf32>
        %get3A_632 = arith.constant 3 : i32
        %get3A_633 = arith.index_cast %get3A_632 : i32 to index
        %get3A_634 = arith.index_cast %scan3A_617 : i32 to index
        %get3A_635 = arith.constant 32 : index
        %get3A_636 = tpu.vector_load %arg7[%get3A_633, %get3A_634, %get3A_635] {strides = array<i32>} : memref<4x200x128xf32, #tpu.memory_space<vmem>>, vector<1x1x16xf32>,
        %get3A_637 = vector.shape_cast %get3A_636 : vector<1x1x16xf32> to vector<16xf32>
        %add3A_638 = arith.addf %add3A_580, %get3A_637 : vector<16xf32>
        %get3A_639 = arith.constant 3 : i32
        %get3A_640 = arith.index_cast %get3A_639 : i32 to index
        %get3A_641 = arith.index_cast %scan3A_617 : i32 to index
        %get3A_642 = arith.constant 48 : index
        %get3A_643 = tpu.vector_load %arg7[%get3A_640, %get3A_641, %get3A_642] {strides = array<i32>} : memref<4x200x128xf32, #tpu.memory_space<vmem>>, vector<1x1x16xf32>,
        %get3A_644 = vector.shape_cast %get3A_643 : vector<1x1x16xf32> to vector<16xf32>
        %add3A_645 = arith.addf %add3A_587, %get3A_644 : vector<16xf32>
        %get3A_646 = arith.constant 3 : i32
        %get3A_647 = arith.index_cast %get3A_646 : i32 to index
        %get3A_648 = arith.index_cast %scan3A_617 : i32 to index
        %get3A_649 = arith.constant 64 : index
        %get3A_650 = tpu.vector_load %arg7[%get3A_647, %get3A_648, %get3A_649] {strides = array<i32>} : memref<4x200x128xf32, #tpu.memory_space<vmem>>, vector<1x1x16xf32>,
        %get3A_651 = vector.shape_cast %get3A_650 : vector<1x1x16xf32> to vector<16xf32>
        %add3A_652 = arith.addf %add3A_594, %get3A_651 : vector<16xf32>
        %get3A_653 = arith.constant 3 : i32
        %get3A_654 = arith.index_cast %get3A_653 : i32 to index
        %get3A_655 = arith.index_cast %scan3A_617 : i32 to index
        %get3A_656 = arith.constant 80 : index
        %get3A_657 = tpu.vector_load %arg7[%get3A_654, %get3A_655, %get3A_656] {strides = array<i32>} : memref<4x200x128xf32, #tpu.memory_space<vmem>>, vector<1x1x16xf32>,
        %get3A_658 = vector.shape_cast %get3A_657 : vector<1x1x16xf32> to vector<16xf32>
        %add3A_659 = arith.addf %add3A_601, %get3A_658 : vector<16xf32>
        %get3A_660 = arith.constant 3 : i32
        %get3A_661 = arith.index_cast %get3A_660 : i32 to index
        %get3A_662 = arith.index_cast %scan3A_617 : i32 to index
        %get3A_663 = arith.constant 96 : index
        %get3A_664 = tpu.vector_load %arg7[%get3A_661, %get3A_662, %get3A_663] {strides = array<i32>} : memref<4x200x128xf32, #tpu.memory_space<vmem>>, vector<1x1x16xf32>,
        %get3A_665 = vector.shape_cast %get3A_664 : vector<1x1x16xf32> to vector<16xf32>
        %add3A_666 = arith.addf %add3A_608, %get3A_665 : vector<16xf32>
        %get3A_667 = arith.constant 3 : i32
        %get3A_668 = arith.index_cast %get3A_667 : i32 to index
        %get3A_669 = arith.index_cast %scan3A_617 : i32 to index
        %get3A_670 = arith.constant 112 : index
        %get3A_671 = tpu.vector_load %arg7[%get3A_668, %get3A_669, %get3A_670] {strides = array<i32>} : memref<4x200x128xf32, #tpu.memory_space<vmem>>, vector<1x1x16xf32>,
        %get3A_672 = vector.shape_cast %get3A_671 : vector<1x1x16xf32> to vector<16xf32>
        %add3A_673 = arith.addf %add3A_615, %get3A_672 : vector<16xf32>
        %scan3A_674 = arith.constant 3 : i32
        %scan3A_675 = arith.addi %scan3A_494, %scan3A_674 : i32
        %get3A_676 = arith.constant 3 : i32
        %get3A_677 = arith.index_cast %get3A_676 : i32 to index
        %get3A_678 = arith.index_cast %scan3A_675 : i32 to index
        %get3A_679 = arith.constant 0 : index
        %get3A_680 = tpu.vector_load %arg7[%get3A_677, %get3A_678, %get3A_679] {strides = array<i32>} : memref<4x200x128xf32, #tpu.memory_space<vmem>>, vector<1x1x16xf32>,
        %get3A_681 = vector.shape_cast %get3A_680 : vector<1x1x16xf32> to vector<16xf32>
        %add3A_682 = arith.addf %add3A_624, %get3A_681 : vector<16xf32>
        %get3A_683 = arith.constant 3 : i32
        %get3A_684 = arith.index_cast %get3A_683 : i32 to index
        %get3A_685 = arith.index_cast %scan3A_675 : i32 to index
        %get3A_686 = arith.constant 16 : index
        %get3A_687 = tpu.vector_load %arg7[%get3A_684, %get3A_685, %get3A_686] {strides = array<i32>} : memref<4x200x128xf32, #tpu.memory_space<vmem>>, vector<1x1x16xf32>,
        %get3A_688 = vector.shape_cast %get3A_687 : vector<1x1x16xf32> to vector<16xf32>
        %add3A_689 = arith.addf %add3A_631, %get3A_688 : vector<16xf32>
        %get3A_690 = arith.constant 3 : i32
        %get3A_691 = arith.index_cast %get3A_690 : i32 to index
        %get3A_692 = arith.index_cast %scan3A_675 : i32 to index
        %get3A_693 = arith.constant 32 : index
        %get3A_694 = tpu.vector_load %arg7[%get3A_691, %get3A_692, %get3A_693] {strides = array<i32>} : memref<4x200x128xf32, #tpu.memory_space<vmem>>, vector<1x1x16xf32>,
        %get3A_695 = vector.shape_cast %get3A_694 : vector<1x1x16xf32> to vector<16xf32>
        %add3A_696 = arith.addf %add3A_638, %get3A_695 : vector<16xf32>
        %get3A_697 = arith.constant 3 : i32
        %get3A_698 = arith.index_cast %get3A_697 : i32 to index
        %get3A_699 = arith.index_cast %scan3A_675 : i32 to index
        %get3A_700 = arith.constant 48 : index
        %get3A_701 = tpu.vector_load %arg7[%get3A_698, %get3A_699, %get3A_700] {strides = array<i32>} : memref<4x200x128xf32, #tpu.memory_space<vmem>>, vector<1x1x16xf32>,
        %get3A_702 = vector.shape_cast %get3A_701 : vector<1x1x16xf32> to vector<16xf32>
        %add3A_703 = arith.addf %add3A_645, %get3A_702 : vector<16xf32>
        %get3A_704 = arith.constant 3 : i32
        %get3A_705 = arith.index_cast %get3A_704 : i32 to index
        %get3A_706 = arith.index_cast %scan3A_675 : i32 to index
        %get3A_707 = arith.constant 64 : index
        %get3A_708 = tpu.vector_load %arg7[%get3A_705, %get3A_706, %get3A_707] {strides = array<i32>} : memref<4x200x128xf32, #tpu.memory_space<vmem>>, vector<1x1x16xf32>,
        %get3A_709 = vector.shape_cast %get3A_708 : vector<1x1x16xf32> to vector<16xf32>
        %add3A_710 = arith.addf %add3A_652, %get3A_709 : vector<16xf32>
        %get3A_711 = arith.constant 3 : i32
        %get3A_712 = arith.index_cast %get3A_711 : i32 to index
        %get3A_713 = arith.index_cast %scan3A_675 : i32 to index
        %get3A_714 = arith.constant 80 : index
        %get3A_715 = tpu.vector_load %arg7[%get3A_712, %get3A_713, %get3A_714] {strides = array<i32>} : memref<4x200x128xf32, #tpu.memory_space<vmem>>, vector<1x1x16xf32>,
        %get3A_716 = vector.shape_cast %get3A_715 : vector<1x1x16xf32> to vector<16xf32>
        %add3A_717 = arith.addf %add3A_659, %get3A_716 : vector<16xf32>
        %get3A_718 = arith.constant 3 : i32
        %get3A_719 = arith.index_cast %get3A_718 : i32 to index
        %get3A_720 = arith.index_cast %scan3A_675 : i32 to index
        %get3A_721 = arith.constant 96 : index
        %get3A_722 = tpu.vector_load %arg7[%get3A_719, %get3A_720, %get3A_721] {strides = array<i32>} : memref<4x200x128xf32, #tpu.memory_space<vmem>>, vector<1x1x16xf32>,
        %get3A_723 = vector.shape_cast %get3A_722 : vector<1x1x16xf32> to vector<16xf32>
        %add3A_724 = arith.addf %add3A_666, %get3A_723 : vector<16xf32>
        %get3A_725 = arith.constant 3 : i32
        %get3A_726 = arith.index_cast %get3A_725 : i32 to index
        %get3A_727 = arith.index_cast %scan3A_675 : i32 to index
        %get3A_728 = arith.constant 112 : index
        %get3A_729 = tpu.vector_load %arg7[%get3A_726, %get3A_727, %get3A_728] {strides = array<i32>} : memref<4x200x128xf32, #tpu.memory_space<vmem>>, vector<1x1x16xf32>,
        %get3A_730 = vector.shape_cast %get3A_729 : vector<1x1x16xf32> to vector<16xf32>
        %add3A_731 = arith.addf %add3A_673, %get3A_730 : vector<16xf32>
        scf.yield %add3A_682, %add3A_689, %add3A_696, %add3A_703, %add3A_710, %add3A_717, %add3A_724, %add3A_731 : vector<16xf32>, vector<16xf32>, vector<16xf32>, vector<16xf32>, vector<16xf32>, vector<16xf32>, vector<16xf32>, vector<16xf32>
      }
      %scan3A_453 = arith.constant 200 : i32
      %swap3A_454 = arith.index_cast %add3A_407 : i32 to index
      %swap3A_455 = arith.constant 0 : index
      %swap3A_456 = tpu.vector_load %arg8[%swap3A_454, %swap3A_455] {strides = array<i32>} : memref<32x128xf32, #tpu.memory_space<vmem>>, vector<1x16xf32>,
      %swap3A_457 = vector.shape_cast %swap3A_456 : vector<1x16xf32> to vector<16xf32>
      %swap3A_458 = vector.shape_cast %scan3A_452#0 : vector<16xf32> to vector<1x16xf32>
      tpu.vector_store %arg8[%swap3A_454, %swap3A_455], %swap3A_458 {strides = array<i32>} : memref<32x128xf32, #tpu.memory_space<vmem>>, vector<1x16xf32>,
      %swap3A_459 = arith.index_cast %add3A_407 : i32 to index
      %swap3A_460 = arith.constant 16 : index
      %swap3A_461 = tpu.vector_load %arg8[%swap3A_459, %swap3A_460] {strides = array<i32>} : memref<32x128xf32, #tpu.memory_space<vmem>>, vector<1x16xf32>,
      %swap3A_462 = vector.shape_cast %swap3A_461 : vector<1x16xf32> to vector<16xf32>
      %swap3A_463 = vector.shape_cast %scan3A_452#1 : vector<16xf32> to vector<1x16xf32>
      tpu.vector_store %arg8[%swap3A_459, %swap3A_460], %swap3A_463 {strides = array<i32>} : memref<32x128xf32, #tpu.memory_space<vmem>>, vector<1x16xf32>,
      %swap3A_464 = arith.index_cast %add3A_407 : i32 to index
      %swap3A_465 = arith.constant 32 : index
      %swap3A_466 = tpu.vector_load %arg8[%swap3A_464, %swap3A_465] {strides = array<i32>} : memref<32x128xf32, #tpu.memory_space<vmem>>, vector<1x16xf32>,
      %swap3A_467 = vector.shape_cast %swap3A_466 : vector<1x16xf32> to vector<16xf32>
      %swap3A_468 = vector.shape_cast %scan3A_452#2 : vector<16xf32> to vector<1x16xf32>
      tpu.vector_store %arg8[%swap3A_464, %swap3A_465], %swap3A_468 {strides = array<i32>} : memref<32x128xf32, #tpu.memory_space<vmem>>, vector<1x16xf32>,
      %swap3A_469 = arith.index_cast %add3A_407 : i32 to index
      %swap3A_470 = arith.constant 48 : index
      %swap3A_471 = tpu.vector_load %arg8[%swap3A_469, %swap3A_470] {strides = array<i32>} : memref<32x128xf32, #tpu.memory_space<vmem>>, vector<1x16xf32>,
      %swap3A_472 = vector.shape_cast %swap3A_471 : vector<1x16xf32> to vector<16xf32>
      %swap3A_473 = vector.shape_cast %scan3A_452#3 : vector<16xf32> to vector<1x16xf32>
      tpu.vector_store %arg8[%swap3A_469, %swap3A_470], %swap3A_473 {strides = array<i32>} : memref<32x128xf32, #tpu.memory_space<vmem>>, vector<1x16xf32>,
      %swap3A_474 = arith.index_cast %add3A_407 : i32 to index
      %swap3A_475 = arith.constant 64 : index
      %swap3A_476 = tpu.vector_load %arg8[%swap3A_474, %swap3A_475] {strides = array<i32>} : memref<32x128xf32, #tpu.memory_space<vmem>>, vector<1x16xf32>,
      %swap3A_477 = vector.shape_cast %swap3A_476 : vector<1x16xf32> to vector<16xf32>
      %swap3A_478 = vector.shape_cast %scan3A_452#4 : vector<16xf32> to vector<1x16xf32>
      tpu.vector_store %arg8[%swap3A_474, %swap3A_475], %swap3A_478 {strides = array<i32>} : memref<32x128xf32, #tpu.memory_space<vmem>>, vector<1x16xf32>,
      %swap3A_479 = arith.index_cast %add3A_407 : i32 to index
      %swap3A_480 = arith.constant 80 : index
      %swap3A_481 = tpu.vector_load %arg8[%swap3A_479, %swap3A_480] {strides = array<i32>} : memref<32x128xf32, #tpu.memory_space<vmem>>, vector<1x16xf32>,
      %swap3A_482 = vector.shape_cast %swap3A_481 : vector<1x16xf32> to vector<16xf32>
      %swap3A_483 = vector.shape_cast %scan3A_452#5 : vector<16xf32> to vector<1x16xf32>
      tpu.vector_store %arg8[%swap3A_479, %swap3A_480], %swap3A_483 {strides = array<i32>} : memref<32x128xf32, #tpu.memory_space<vmem>>, vector<1x16xf32>,
      %swap3A_484 = arith.index_cast %add3A_407 : i32 to index
      %swap3A_485 = arith.constant 96 : index
      %swap3A_486 = tpu.vector_load %arg8[%swap3A_484, %swap3A_485] {strides = array<i32>} : memref<32x128xf32, #tpu.memory_space<vmem>>, vector<1x16xf32>,
      %swap3A_487 = vector.shape_cast %swap3A_486 : vector<1x16xf32> to vector<16xf32>
      %swap3A_488 = vector.shape_cast %scan3A_452#6 : vector<16xf32> to vector<1x16xf32>
      tpu.vector_store %arg8[%swap3A_484, %swap3A_485], %swap3A_488 {strides = array<i32>} : memref<32x128xf32, #tpu.memory_space<vmem>>, vector<1x16xf32>,
      %swap3A_489 = arith.index_cast %add3A_407 : i32 to index
      %swap3A_490 = arith.constant 112 : index
      %swap3A_491 = tpu.vector_load %arg8[%swap3A_489, %swap3A_490] {strides = array<i32>} : memref<32x128xf32, #tpu.memory_space<vmem>>, vector<1x16xf32>,
      %swap3A_492 = vector.shape_cast %swap3A_491 : vector<1x16xf32> to vector<16xf32>
      %swap3A_493 = vector.shape_cast %scan3A_452#7 : vector<16xf32> to vector<1x16xf32>
      tpu.vector_store %arg8[%swap3A_489, %swap3A_490], %swap3A_493 {strides = array<i32>} : memref<32x128xf32, #tpu.memory_space<vmem>>, vector<1x16xf32>,
    }
    %scan3A_139 = arith.constant 8 : i32
    "tpu.region"() ({
      %run_scoped3A = tpu.sem_alloc : memref<!tpu.dma_semaphore, #tpu.memory_space<semaphore_mem>>
      %dma_start3A_142 = arith.constant 0 : i32
      %dma_start3A_143 = tpu.memref_slice %arg4[%mul3A_2, %dma_start3A_142] : memref<1024x128xf32, #tpu.memory_space<hbm>> -> memref<32x128xf32, #tpu.memory_space<hbm>>
      %dma_start3A_144 = arith.constant 0 : i32
      %dma_start3A_145 = tpu.memref_slice %arg4[%mul3A_2, %dma_start3A_144] : memref<1024x128xf32, #tpu.memory_space<hbm>> -> memref<32x128xf32, #tpu.memory_space<hbm>>
      tpu.enqueue_dma source(%arg8 : memref<32x128xf32, #tpu.memory_space<vmem>>) target(%dma_start3A_145 : memref<32x128xf32, #tpu.memory_space<hbm>>) target_semaphore(%run_scoped3A : memref<!tpu.dma_semaphore, #tpu.memory_space<semaphore_mem>>)
      %dma_wait3A = arith.constant 0 : i32
      %dma_wait3A_146 = tpu.memref_slice %arg4[%mul3A_2, %dma_wait3A] : memref<1024x128xf32, #tpu.memory_space<hbm>> -> memref<32x128xf32, #tpu.memory_space<hbm>>
      %dma_wait3A_147 = arith.constant 0 : i32
      %dma_wait3A_148 = tpu.memref_slice %arg4[%mul3A_2, %dma_wait3A_147] : memref<1024x128xf32, #tpu.memory_space<hbm>> -> memref<32x128xf32, #tpu.memory_space<hbm>>
      tpu.wait_dma2 semaphore(%run_scoped3A : memref<!tpu.dma_semaphore, #tpu.memory_space<semaphore_mem>>) src(%arg8 : memref<32x128xf32, #tpu.memory_space<vmem>>) dst(%dma_wait3A_148 : memref<32x128xf32, #tpu.memory_space<hbm>>)
      tpu.yield
    }) : () -> ()
    %eq3A = arith.constant 31 : i32
    %eq3A_140 = arith.cmpi eq, %add3A, %eq3A : i32
    %convert_element_type3A = arith.extui %eq3A_140 : i1 to i32
    %cond3A = arith.constant 0 : i32
    %cond3A_141 = arith.cmpi ne, %convert_element_type3A, %cond3A : i32
    scf.if %cond3A_141 {
      %run_scoped3A = arith.constant 3 : i32
      "tpu.region"() ({
        %run_scoped3A_142 = tpu.sem_alloc : memref<!tpu.dma_semaphore, #tpu.memory_space<semaphore_mem>>
        %dma_start3A_143 = arith.constant 0 : i32
        %dma_start3A_144 = arith.constant 0 : i32
        %dma_start3A_145 = tpu.memref_slice %arg7[%run_scoped3A, %dma_start3A_143, %dma_start3A_144] : memref<4x200x128xf32, #tpu.memory_space<vmem>> -> memref<1x200x128xf32, #tpu.memory_space<vmem>>
        %dma_start3A_146 = tpu.memref_squeeze %dma_start3A_145 : memref<1x200x128xf32, #tpu.memory_space<vmem>> -> memref<200x128xf32, #tpu.memory_space<vmem>>
        %dma_start3A_147 = arith.constant 0 : i32
        %dma_start3A_148 = arith.constant 0 : i32
        %dma_start3A_149 = tpu.memref_slice %arg7[%run_scoped3A, %dma_start3A_147, %dma_start3A_148] : memref<4x200x128xf32, #tpu.memory_space<vmem>> -> memref<1x200x128xf32, #tpu.memory_space<vmem>>
        %dma_start3A_150 = tpu.memref_squeeze %dma_start3A_149 : memref<1x200x128xf32, #tpu.memory_space<vmem>> -> memref<200x128xf32, #tpu.memory_space<vmem>>
        tpu.enqueue_dma source(%dma_start3A_150 : memref<200x128xf32, #tpu.memory_space<vmem>>) target(%arg5 : memref<200x128xf32, #tpu.memory_space<hbm>>) target_semaphore(%run_scoped3A_142 : memref<!tpu.dma_semaphore, #tpu.memory_space<semaphore_mem>>)
        %dma_wait3A = arith.constant 0 : i32
        %dma_wait3A_151 = arith.constant 0 : i32
        %dma_wait3A_152 = tpu.memref_slice %arg7[%run_scoped3A, %dma_wait3A, %dma_wait3A_151] : memref<4x200x128xf32, #tpu.memory_space<vmem>> -> memref<1x200x128xf32, #tpu.memory_space<vmem>>
        %dma_wait3A_153 = tpu.memref_squeeze %dma_wait3A_152 : memref<1x200x128xf32, #tpu.memory_space<vmem>> -> memref<200x128xf32, #tpu.memory_space<vmem>>
        %dma_wait3A_154 = arith.constant 0 : i32
        %dma_wait3A_155 = arith.constant 0 : i32
        %dma_wait3A_156 = tpu.memref_slice %arg7[%run_scoped3A, %dma_wait3A_154, %dma_wait3A_155] : memref<4x200x128xf32, #tpu.memory_space<vmem>> -> memref<1x200x128xf32, #tpu.memory_space<vmem>>
        %dma_wait3A_157 = tpu.memref_squeeze %dma_wait3A_156 : memref<1x200x128xf32, #tpu.memory_space<vmem>> -> memref<200x128xf32, #tpu.memory_space<vmem>>
        tpu.wait_dma2 semaphore(%run_scoped3A_142 : memref<!tpu.dma_semaphore, #tpu.memory_space<semaphore_mem>>) src(%dma_wait3A_157 : memref<200x128xf32, #tpu.memory_space<vmem>>) dst(%arg5 : memref<200x128xf32, #tpu.memory_space<hbm>>)
        tpu.yield
      }) : () -> ()
    } else {
    }
    return
  }
}

module attributes {stable_mosaic.version = 14 : i64} {
  func.func @_tc_body(%arg0: memref<1024x128xf32, #tpu.memory_space<vmem>>, %arg1: memref<200x128xf32, #tpu.memory_space<vmem>>, %arg2: memref<128x128xf32, #tpu.memory_space<vmem>>, %arg3: memref<1x128xf32, #tpu.memory_space<vmem>>, %arg4: memref<128x128xf32, #tpu.memory_space<vmem>>, %arg5: memref<1x128xf32, #tpu.memory_space<vmem>>, %arg6: memref<1023x128xf32, #tpu.memory_space<vmem>>, %arg7: memref<200x128xf32, #tpu.memory_space<vmem>>) attributes {dimension_semantics = [], scalar_prefetch = 0 : i64, scratch_operands = 0 : i64, tpu.core_type = #tpu.core_type<tc>} {
    %get3A = arith.constant 0 : index
    %get3A_0 = arith.constant 0 : index
    %get3A_1 = vector.load %arg0[%get3A, %get3A_0] : memref<1024x128xf32, #tpu.memory_space<vmem>>, vector<1024x128xf32>
    %mul3A = arith.constant 5.000000e-03 : f32
    %mul3A_2 = vector.broadcast %mul3A : f32 to vector<1024x128xf32>
    %mul3A_3 = arith.mulf %get3A_1, %mul3A_2 : vector<1024x128xf32>
    %get3A_4 = arith.constant 0 : index
    %get3A_5 = arith.constant 0 : index
    %get3A_6 = vector.load %arg2[%get3A_4, %get3A_5] : memref<128x128xf32, #tpu.memory_space<vmem>>, vector<128x128xf32>
    %dot_general3A = arith.constant dense<0.000000e+00> : vector<1024x128xf32>
    %dot_general3A_7 = tpu.matmul %mul3A_3, %get3A_6, %dot_general3A {dimension_numbers = #tpu.dot_dimension_numbers<[1], [0], [0], [1], [0, 0, 1, 1], [], []>, transpose_lhs_hint = false} : vector<1024x128xf32>, vector<128x128xf32>, vector<1024x128xf32> -> vector<1024x128xf32>
    %get3A_8 = arith.constant 0 : index
    %get3A_9 = arith.constant 0 : index
    %get3A_10 = vector.load %arg3[%get3A_8, %get3A_9] : memref<1x128xf32, #tpu.memory_space<vmem>>, vector<1x128xf32>
    %add3A = vector.broadcast %get3A_10 : vector<1x128xf32> to vector<1024x128xf32>
    %add3A_11 = arith.addf %dot_general3A_7, %add3A : vector<1024x128xf32>
    %tanh3A = math.tanh %add3A_11 : vector<1024x128xf32>
    %slice3A = vector.extract_strided_slice %tanh3A {offsets = [0, 0], sizes = [1023, 128], strides = [1, 1]} : vector<1024x128xf32> to vector<1023x128xf32>
    %swap3A = arith.constant 0 : index
    %swap3A_12 = arith.constant 0 : index
    %swap3A_13 = vector.load %arg6[%swap3A, %swap3A_12] : memref<1023x128xf32, #tpu.memory_space<vmem>>, vector<1023x128xf32>
    tpu.vector_store %arg6[%swap3A, %swap3A_12], %slice3A {strides = array<i32>} : memref<1023x128xf32, #tpu.memory_space<vmem>>, vector<1023x128xf32>,
    %get3A_14 = arith.constant 0 : index
    %get3A_15 = arith.constant 0 : index
    %get3A_16 = vector.load %arg1[%get3A_14, %get3A_15] : memref<200x128xf32, #tpu.memory_space<vmem>>, vector<200x128xf32>
    %get3A_17 = arith.constant 0 : index
    %get3A_18 = arith.constant 0 : index
    %get3A_19 = vector.load %arg4[%get3A_17, %get3A_18] : memref<128x128xf32, #tpu.memory_space<vmem>>, vector<128x128xf32>
    %dot_general3A_20 = arith.constant dense<0.000000e+00> : vector<200x128xf32>
    %dot_general3A_21 = tpu.matmul %get3A_16, %get3A_19, %dot_general3A_20 {dimension_numbers = #tpu.dot_dimension_numbers<[1], [0], [0], [1], [0, 0, 1, 1], [], []>, transpose_lhs_hint = false} : vector<200x128xf32>, vector<128x128xf32>, vector<200x128xf32> -> vector<200x128xf32>
    %get3A_22 = arith.constant 0 : index
    %get3A_23 = arith.constant 0 : index
    %get3A_24 = vector.load %arg5[%get3A_22, %get3A_23] : memref<1x128xf32, #tpu.memory_space<vmem>>, vector<1x128xf32>
    %add3A_25 = vector.broadcast %get3A_24 : vector<1x128xf32> to vector<200x128xf32>
    %add3A_26 = arith.addf %dot_general3A_21, %add3A_25 : vector<200x128xf32>
    %tanh3A_27 = math.tanh %add3A_26 : vector<200x128xf32>
    %swap3A_28 = arith.constant 0 : index
    %swap3A_29 = arith.constant 0 : index
    %swap3A_30 = vector.load %arg7[%swap3A_28, %swap3A_29] : memref<200x128xf32, #tpu.memory_space<vmem>>, vector<200x128xf32>
    tpu.vector_store %arg7[%swap3A_28, %swap3A_29], %tanh3A_27 {strides = array<i32>} : memref<200x128xf32, #tpu.memory_space<vmem>>, vector<200x128xf32>,
    return
  }
}

</mosaic_0001>

<sc_bundles>
// kernel: kernel.4.cloned.1.call-start
scs
__scs_entry_jumppad:
0x0: {  	(pc) =	sbr.rel $0x88, $3  }
0x1: {  	(tag) =	ssettag $0x0;
	lr =	simm.s32 $0x1  }
0x2: {  	[smem:$0x3F9B] =	sst lr;
	_ =	strace $0xD0000000  }
0x3: {  	_ = 	snop  }
0x4: {  	_ = 	snop  }
0x5: {  	_ = 	snop  }
0x6: {  	_ = 	snop  }
0x7: {  	_ = 	snop  }
__scs_overlays_trampoline_lowered:
0x8: {  	[smem:$0x3FAA] =	sst s0  }
0x9: {  	[smem:$0x3FAB] =	sst s1  }
0xa: {  	[smem:$0x3FAC] =	sst s2  }
0xb: {  	[smem:$0x3FAD] =	sst s3  }
0xc: {  	[smem:$0x3FAE] =	sst s4  }
0xd: {  	[smem:$0x3FAF] =	sst s5  }
0xe: {  	[smem:$0x3FB0] =	sst s6  }
0xf: {  	[smem:$0x3FB1] =	sst s7  }
0x10: {  	[smem:$0x3FB2] =	sst s8  }
0x11: {  	[smem:$0x3FB3] =	sst s9;
	s0 =	simm.s32 @!p0 $0x0  }
0x12: {  	s1 =	sld [smem:$0x3F99];
	s0 =	simm.s32 @p0 $0x1  }
0x13: {  	[smem:$0x3FB4] =	sst s0;
	s0 =	simm.s32 @!p1 $0x0  }
0x14: {  	s2 =	sld [smem:$0x3F98];
	s0 =	simm.s32 @p1 $0x1  }
0x15: {  	[smem:$0x3FB5] =	sst s0;
	s0 =	simm.s32 @!p2 $0x0  }
0x16: {  	s3 =	sld [smem:$0x3FDB];
	s0 =	simm.s32 @p2 $0x1  }
0x17: {  	s4 =	simm.s32 $0x1BF5;
	[smem:$0x3FB7] =	sst s0  }
0x18: {  	s0 =	sld [smem:$0x3F9A];
	_ =	swait.ge [sflag:s4], $0x0  }
0x19: {  	s7 =	sld [smem:$0x3F9B]  }
0x1a: {  	s8 =	sadd.s32 $0xFFFFE003, lr  }
0x1b: {  	s9 =	sadd.s32 $0xFFFFFEF7, lr;
	s5 =	simm.s32 $0xFFFFFFFF;
	p2 =	slt.u32 s8, $0xFFFFF086  }
0x1c: {  	p1 =	slt.u32 s9, $0xF7A;
	s5 =	simm.s32 @!p2 $0x0  }
0x1d: {  	s5 =	simm.s32 @p1 $0x1;
	p0 =	seq.s32 s7, s2  }
0x1e: {  	s7 =	smul.u32 @!p0 $0xF7A, s2;
	p2 =	seq.s32 @!p0 s5, $0x0  }
0x1f: {  	s9 =	smul.u32 $0xF7A, s1;
	s8 =	simm.s32 @!p0 $0x1BF5;
	p2 =	por !p2, p0  }
0x20: {  	[sflag:s8] =	ssyncset.s32 @!p0 $0xFFFFF086;
	s6 =	sadd.s32 @!p0 s3, s7;
	s7 =	simm.s32 @!p0 $0x108  }
0x21: {  	s3 =	sadd.s32 s3, s9;
	s6 =	sadd.s32 @!p0 $0x88, s6;
	s7 =	simm.s32 @p2 $0x1082  }
0x22: {  	[simem:s7], [sflag:s8] =	dma.local @!p0 [hbm:s6], $0xF7A  }
0x23: {  	s9 =	sor.u32 $0xD0000000, s2;
	s6 =	simm.s32 $0x108;
	_ =	swait.ge @!p0 [sflag:s8], $0x0  }
0x24: {  	s3 =	sadd.s32 $0x88, s3;
	s6 =	simm.s32 @!p1 $0x1082;
	[sflag:s4] =	ssyncset.s32 $0xFFFFF086  }
0x25: {  	[simem:s6], [sflag:s4] =	dma.local [hbm:s3], $0xF7A  }
0x26: {  	[smem:$0x3F9B] =	sst s1;
	(tag) =	ssettag s2;
	_ =	strace s9  }
0x27: {  	s1 =	sld [smem:$0x3FAB]  }
0x28: {  	s2 =	sld [smem:$0x3FAC]  }
0x29: {  	s4 =	sld [smem:$0x3FAE]  }
0x2a: {  	p0 =	seq.s32 s5, $0x0;
	s5 =	sld [smem:$0x3FAF]  }
0x2b: {  	s6 =	sld [smem:$0x3FB0]  }
0x2c: {  	s7 =	sld [smem:$0x3FB1]  }
0x2d: {  	s3 =	simm.s32 $0x108;
	s8 =	sld [smem:$0x3FB2]  }
0x2e: {  	s3 =	simm.s32 @!p0 $0x1082;
	s9 =	sld [smem:$0x3FB3]  }
0x2f: {  	lr =	sadd.s32 s0, s3;
	s0 =	sld [smem:$0x3FAA]  }
0x30: {  	s3 =	sld [smem:$0x3FAD]  }
0x31: {  	[smem:$0x3FB6] =	sst s10  }
0x32: {  	s10 =	sld [smem:$0x3FB4];
	_ =	sdelay $0x3  }
0x33: {  	p0 =	seq.s32 s10, $0x1;
	s10 =	sld [smem:$0x3FB6];
	_ =	sdelay $0x3  }
0x34: {  	[smem:$0x3FB6] =	sst s10  }
0x35: {  	s10 =	sld [smem:$0x3FB5];
	_ =	sdelay $0x3  }
0x36: {  	p1 =	seq.s32 s10, $0x1;
	s10 =	sld [smem:$0x3FB6];
	_ =	sdelay $0x3  }
0x37: {  	[smem:$0x3FB6] =	sst s10  }
0x38: {  	s10 =	sld [smem:$0x3FB7]  }
0x39: {  	_ = 	snop;
	(pc) =	sbr.ind lr, $3  }
0x3a: {  	_ = 	snop  }
0x3b: {  	_ = 	snop  }
0x3c: {  	p2 =	seq.s32 s10, $0x1;
	s10 =	sld [smem:$0x3FB6]  }
0x3d: {  	_ =	shalt  }
0x3e: {  	_ =	shalt  }
0x3f: {  	_ =	shalt  }
0x40: {  	_ =	shalt  }
0x41: {  	_ =	shalt  }
0x42: {  	_ =	shalt  }
0x43: {  	_ =	shalt  }
0x44: {  	_ =	shalt  }
0x45: {  	_ =	shalt  }
0x46: {  	_ =	shalt  }
0x47: {  	_ =	shalt  }
0x48: {  	_ =	shalt  }
0x49: {  	_ =	shalt  }
0x4a: {  	_ =	shalt  }
0x4b: {  	_ =	shalt  }
0x4c: {  	_ =	shalt  }
0x4d: {  	_ =	shalt  }
0x4e: {  	_ =	shalt  }
0x4f: {  	_ =	shalt  }
0x50: {  	_ =	shalt  }
0x51: {  	_ =	shalt  }
0x52: {  	_ =	shalt  }
0x53: {  	_ =	shalt  }
0x54: {  	_ =	shalt  }
0x55: {  	_ =	shalt  }
0x56: {  	_ =	shalt  }
0x57: {  	_ =	shalt  }
0x58: {  	_ =	shalt  }
0x59: {  	_ =	shalt  }
0x5a: {  	_ =	shalt  }
0x5b: {  	_ =	shalt  }
0x5c: {  	_ =	shalt  }
0x5d: {  	_ =	shalt  }
0x5e: {  	_ =	shalt  }
0x5f: {  	_ =	shalt  }
0x60: {  	_ =	shalt  }
0x61: {  	_ =	shalt  }
0x62: {  	_ =	shalt  }
0x63: {  	_ =	shalt  }
0x64: {  	_ =	shalt  }
0x65: {  	_ =	shalt  }
0x66: {  	_ =	shalt  }
0x67: {  	_ =	shalt  }
0x68: {  	_ =	shalt  }
0x69: {  	_ =	shalt  }
0x6a: {  	_ =	shalt  }
0x6b: {  	_ =	shalt  }
0x6c: {  	_ =	shalt  }
0x6d: {  	_ =	shalt  }
0x6e: {  	_ =	shalt  }
0x6f: {  	_ =	shalt  }
0x70: {  	_ =	shalt  }
0x71: {  	_ =	shalt  }
0x72: {  	_ =	shalt  }
0x73: {  	_ =	shalt  }
0x74: {  	_ =	shalt  }
0x75: {  	_ =	shalt  }
0x76: {  	_ =	shalt  }
0x77: {  	_ =	shalt  }
0x78: {  	_ =	shalt  }
0x79: {  	_ =	shalt  }
0x7a: {  	_ =	shalt  }
0x7b: {  	_ =	shalt  }
0x7c: {  	_ =	shalt  }
0x7d: {  	_ =	shalt  }
0x7e: {  	_ =	shalt  }
0x7f: {  	_ =	shalt  }
0x80: {  	_ =	shalt  }
0x81: {  	_ =	shalt  }
0x82: {  	_ =	shalt  }
0x83: {  	_ =	shalt  }
0x84: {  	_ =	shalt  }
0x85: {  	_ =	shalt  }
0x86: {  	_ =	shalt  }
0x87: {  	_ =	shalt  }
.Lfunc_end0:
.L_simem_size_0:
called_computation_lowered:
.L_overlay_start_0:
0x88: {  	s2 =	sld [smem:$0x3FD9]  }
0x89: {  	s3 =	sld [smem:$0x3FFE];
	_ =	sdelay $0x1  }
0x8a: {  	s1 =	srdreg.scid  }
0x8b: {  	s0 =	sand.u32 $0x1, s1  }
0x8c: {  	s14 =	sshll.u32 s0, $0xA;
	s2 =	sadd.s32 s3, s2  }
0x8d: {  	s2 =	sadd.s32 s2, s14  }
0x8e: {  	[smem:$0x3FC2] =	sst s2  }
0x8f: {  	_ = 	snop  }
0x90: {  	s2 =	sld [smem:$0x3FD0];
	_ =	sdelay $0x2  }
0x91: {  	s4 =	simm.s32 $0xA;
	s5 =	simm.s32 $0x10;
	s15 =	sld [smem:$0x3FC8]  }
0x92: {  	[smem:s5], [sflag:s4] =	dma.local [hbm:s2], $0x1  }
0x93: {  	_ =	swait.eq [sflag:s4], $0x1  }
0x94: {  	[sflag:s4] =	ssyncset.done $0x0  }
0x95: {  	s16 =	sld [smem:$0x10];
	[sflag:s4] =	ssyncadd.s32 $0xFFFFFFFF  }
0x96: {  	s17 =	sld [smem:$0x11];
	(tm) =	ssettm $0x1  }
0x97: {  	s18 =	sld [smem:$0x3FFB];
	_ =	sdelay $0x3  }
0x98: {  	_ =	strace s18  }
0x99: {  	s5 =	sld [smem:$0x3FFC];
	_ =	sdelay $0x3  }
0x9a: {  	_ =	strace s5  }
0x9b: {  	s5 =	sld [smem:$0x3FFD];
	_ =	sdelay $0x3  }
0x9c: {  	_ =	strace s5  }
0x9d: {  	_ =	strace $0x8FFFFFFF  }
0x9e: {  	s19 =	sld [smem:$0x3FDB];
	_ =	sdelay $0x1  }
0x9f: {  	s6 =	simm.s32 $_scs_section_size  }
0xa0: {  	s7 =	simm.s32 $_size__tile_overlayer_lowered;
	s8 =	simm.s32 $_tile_overlayer_lowered  }
0xa1: {  	s22 =	simm.s32 $0x1BFF;
	s21 =	sshll.u32 s8, $0x1;
	s5 =	sadd.s32 s6, s19  }
0xa2: {  	s9 =	simm.s32 $0x0;
	s20 =	sshll.u32 s7, $0x1;
	s7 =	sadd.s32 s21, s5  }
0xa3: {  	[timem:s9], [sflag:s22] =	dma.local [hbm:s7], s20  }
0xa4: {  	_ =	swait.ge [sflag:s22], s20  }
0xa5: {  	s6 =	ssub.s32 $0x0, s20;
	[sflag:s22] =	ssyncset.done $0x0  }
0xa6: {  	[sflag:s22] =	ssyncadd.s32 s6;
	_ =	sdelay $0x1  }
0xa7: {  	s23 =	simm.s32 $0x1B8B  }
0xa8: {  	_ =	swait.ge [sflag:s23], $0x1  }
0xa9: {  	[sflag:s23] =	ssyncset.done $0x0  }
0xaa: {  	s25 =	simm.s32 $0x1B8E;
	s24 =	sld [smem:$0x3FFE];
	[sflag:s23] =	ssyncadd.s32 $0xFFFFFFFF  }
0xab: {  	s26 =	simm.s32 $execute0_lowered;
	[smem:$0x3FD2] =	sst s25  }
0xac: {  	s7 =	sshll.u32 s26, $0x1;
	_ =	strace $0x80000046;
	[dreg:$0x1] =	wrdreg $0xFFFFFFFF  }
0xad: {  	s28 =	simm.s32 $_size_execute0_lowered;
	s5 =	sadd.s32 s5, s7;
	[dreg:$0x0] =	wrdreg $0x0  }
0xae: {  	s7 =	sshll.u32 s28, $0x1;
	[dreg:$0x2] =	wrdreg s5  }
0xaf: {  	[dreg:$0x3] =	wrdreg s7  }
0xb0: {  	[dreg:$0x4] =	wrdreg $0xC0  }
0xb1: {  	_ =	task [dreg:s9], $0x5FFFF  }
0xb2: {  	[dreg:$0x1] =	wrdreg $0xFFFFFFFF  }
0xb3: {  	[dreg:$0x0] =	wrdreg $0x60  }
0xb4: {  	[dreg:$0x2] =	wrdreg s24  }
0xb5: {  	[dreg:$0x3] =	wrdreg s15  }
0xb6: {  	[dreg:$0x4] =	wrdreg s16  }
0xb7: {  	[dreg:$0x5] =	wrdreg s17  }
0xb8: {  	[dreg:$0x6] =	wrdreg $0x9  }
0xb9: {  	_ =	task.clear_ibuf [dreg:s9], $0x7FFFF;
	_ =	strace $0x90000046  }
0xba: {  	s29 =	simm.s32 $0x9;
	_ =	strace $0x80000048  }
0xbb: {  	_ =	swait.ge [sflag:s29], $0x1  }
0xbc: {  	[sflag:s29] =	ssyncadd.s32 $0xFFFFFFFF  }
0xbd: {  	_ =	strace $0x90000048  }
0xbe: {  	_ =	sfence  }
0xbf: {  	s30 =	sld [smem:$0x0];
	_ =	sdelay $0x2  }
0xc0: {  	s31 =	sshll.u32 s1, $0xD;
	s1 =	sshrl.u32 s1, $0x2  }
0xc1: {  	s3 =	sand.u32 $0x4000, s31;
	s1 =	sadd.s32 s1, s30  }
0xc2: {  	s0 =	sor.u32 s3, s0;
	s1 =	sshll.u32 s1, $0x11  }
0xc3: {  	s0 =	sor.u32 s1, s0  }
0xc4: {  	s0 =	sadd.s32 $0x8F2B, s0  }
0xc5: {  	[sflag:s0] =	ssyncadd.remote.s32 $0x1  }
0xc6: {  	_ =	sfence.sel $0xFFFF  }
0xc7: {  	[dreg:$0x0] =	wrdreg $0xFFFFFFFF;
	(pc) =	sbr.abs _section_cstart, $3  }
0xc8: {  	[dreg:$0x1] =	wrdreg $0xFFFFFFFF  }
0xc9: {  	_ =	task.clear_ibuf [dreg:s9], $0x2FFFF;
	_ =	strace $0x9FFFFFFF  }
0xca: {  	(tm) =	ssettm $0x7FFFFFFF  }
0xcb: {  	_ =	shalt  }
tec
execute0_lowered:
.L_overlay_start_1:
0x0: {  	(tag) =	ssettag $0x1  }
0x1: {  	s0 =	rddreg [dreg:$0x0]  }
0x2: {  	s1 =	rddreg [dreg:$0x1]  }
0x3: {  	s2 =	rddreg [dreg:$0x2];
	s3 =	srdreg.scid  }
0x4: {  	s4 =	stileid.u32;
	s8 =	simm.s32 $0x5;
	s9 =	simm.s32 $0x38  }
0x5: {  	s14 =	simm.s32 $0x20;
	s28 =	simm.s32 $0x1C8;
	s29 =	simm.s32 $0xFD00  }
0x6: {  	s30 =	simm.s32 $0x200;
	s31 =	simm.s32 $0x11900;
	s11 =	simm.s32 $0x16100  }
0x7: {  	s12 =	simm.s32 $0x17D00;
	s13 =	simm.s32 $0x19900;
	s15 =	simm.s32 $0x2  }
0x8: {  	s16 =	simm.s32 $0x3;
	s17 =	simm.s32 $0x4;
	s18 =	simm.s32 $0x1A900  }
0x9: {  	s3 =	sand.u32 $0x1, s3;
	s5 =	sshll.u32 s4, $0x1;
	s4 =	simm.s32 $0x0  }
0xa: {  	s19 =	simm.s32 $0x0;
	s10 =	sor.u32 s3, s5;
	[smem:$0x7FF] =	sst s4  }
0xb: {  	s3 =	ssub.s32 $0x2, s3;
	s5 =	smul.u32 $0x320, s10;
	_ =	strace $0x80000047  }
0xc: {  	s6 =	sshrl.u32 s3, $0x1;
	s26 =	sshll.u32 s10, $0x9;
	p0 =	sne.s32 s10, $0x1F  }
0xd: {  	s10 =	simm.s32 $0x14500;
	s3 =	ssub.s32 s3, s6;
	s6 =	sadd.s32 s2, s26  }
0xe: {  	s2 =	simm.s32 $0x238;
	s0 =	sadd.s32 s5, s0;
	s7 =	smax.u32 s3, $0x1  }
0xf: {  	s3 =	simm.s32 $0x1;
	s5 =	sadd.s32 $0x1400, s0;
	s0 =	simm.s32 $0x13500  }
.LBB2_1:
0x10: {  	[tilespmem:s4], [sflag:$0x5] =	stream.linear.gather [hbm4b:s5+s4], $0x1900, $0x38;
	[tilespmem:$0x1B900] =	vst v63  }
0x11: {  	_ =	swait.ge [sflag:s8], $0x1900  }
0x12: {  	[sflag:s8] =	ssyncset.done $0x0  }
0x13: {  	s20 =	simm.s32 $0x1900;
	[sflag:s8] =	ssyncadd.s32 $0xFFFFE700  }
0x14: {  	[tilespmem:s20], [sflag:$0x1] =	stream.indirect.gather [hbm4b:s1+s9], $0x80, s4, s9, $0xb8;
	[tilespmem:$0x1B900] =	vst v63  }
0x15: {  	s25 =	simm.s32 $0x3500  }
0x16: {  	[tilespmem:s25], [sflag:$0x1] =	stream.indirect.gather [hbm4b:s1+s9], $0x80, s9, s9, $0xb8;
	[tilespmem:$0x1B900] =	vst v63  }
0x17: {  	s26 =	simm.s32 $0x70;
	s21 =	simm.s32 $0x5100  }
0x18: {  	[tilespmem:s21], [sflag:$0x1] =	stream.indirect.gather [hbm4b:s1+s9], $0x80, s26, s9, $0xb8;
	[tilespmem:$0x1B900] =	vst v63  }
0x19: {  	s22 =	simm.s32 $0x6D00;
	s21 =	simm.s32 $0xA8  }
0x1a: {  	[tilespmem:s22], [sflag:$0x1] =	stream.indirect.gather [hbm4b:s1+s14], $0x80, s21, s14, $0xb8;
	[tilespmem:$0x1B900] =	vst v63  }
0x1b: {  	s23 =	simm.s32 $0xC8;
	s24 =	simm.s32 $0x7D00  }
0x1c: {  	[tilespmem:s24], [sflag:$0x2] =	stream.indirect.gather [hbm4b:s1+s9], $0x80, s23, s9, $0xb8;
	[tilespmem:$0x1B900] =	vst v63  }
0x1d: {  	s25 =	simm.s32 $0x100;
	s26 =	simm.s32 $0x9900  }
0x1e: {  	[tilespmem:s26], [sflag:$0x2] =	stream.indirect.gather [hbm4b:s1+s9], $0x80, s25, s9, $0xb8;
	[tilespmem:$0x1B900] =	vst v63  }
0x1f: {  	s21 =	simm.s32 $0x138;
	s22 =	simm.s32 $0xB500  }
0x20: {  	[tilespmem:s22], [sflag:$0x2] =	stream.indirect.gather [hbm4b:s1+s9], $0x80, s21, s9, $0xb8;
	[tilespmem:$0x1B900] =	vst v63  }
0x21: {  	s23 =	simm.s32 $0x170;
	s24 =	simm.s32 $0xD100  }
0x22: {  	[tilespmem:s24], [sflag:$0x2] =	stream.indirect.gather [hbm4b:s1+s14], $0x80, s23, s14, $0xb8;
	[tilespmem:$0x1B900] =	vst v63  }
0x23: {  	s25 =	simm.s32 $0x190;
	s26 =	simm.s32 $0xE100  }
0x24: {  	[tilespmem:s26], [sflag:$0x3] =	stream.indirect.gather [hbm4b:s1+s9], $0x80, s25, s9, $0xb8;
	[tilespmem:$0x1B900] =	vst v63  }
0x25: {  	_ = 	snop  }
0x26: {  	[tilespmem:s29], [sflag:$0x3] =	stream.indirect.gather [hbm4b:s1+s9], $0x80, s28, s9, $0xb8;
	[tilespmem:$0x1B900] =	vst v63  }
0x27: {  	_ = 	snop  }
0x28: {  	[tilespmem:s31], [sflag:$0x3] =	stream.indirect.gather [hbm4b:s1+s9], $0x80, s30, s9, $0xb8;
	[tilespmem:$0x1B900] =	vst v63  }
0x29: {  	s20 =	simm.s32 $0x0  }
0x2a: {  	[tilespmem:s0], [sflag:$0x3] =	stream.indirect.gather [hbm4b:s1+s14], $0x80, s2, s14, $0xb8;
	[tilespmem:$0x1B900] =	vst v63  }
.LBB2_2:
0x2b: {  	s21 =	sshllo.u32 s20, $0x2  }
0x2c: {  	_ =	swait.ge [sflag:s3], $0x6400;
	s22 =	smul.u32 $0x320, s21  }
0x2d: {  	[sflag:s3] =	ssyncset.done $0x0  }
0x2e: {  	[sflag:s3] =	ssyncadd.s32 $0xFFFF9C00;
	s22 =	sshra.s32 s22, $0x2  }
0x2f: {  	[tilespmem:s10], [sflag:$0x4] =	stream.indirect.gather [hbm4b:s1+s9], $0x80, s22, s9, $0xb8;
	[tilespmem:$0x1B900] =	vst v63  }
0x30: {  	s23 =	sadd.s32 $0x38, s22  }
0x31: {  	[tilespmem:s11], [sflag:$0x4] =	stream.indirect.gather [hbm4b:s1+s9], $0x80, s23, s9, $0xb8;
	[tilespmem:$0x1B900] =	vst v63  }
0x32: {  	s25 =	sadd.s32 $0x70, s22  }
0x33: {  	[tilespmem:s12], [sflag:$0x4] =	stream.indirect.gather [hbm4b:s1+s9], $0x80, s25, s9, $0xb8;
	[tilespmem:$0x1B900] =	vst v63  }
0x34: {  	s26 =	simm.s32 $0x1A00;
	s22 =	sadd.s32 $0xA8, s22  }
0x35: {  	[tilespmem:s13], [sflag:$0x4] =	stream.indirect.gather [hbm4b:s1+s14], $0x80, s22, s14, $0xb8;
	[tilespmem:$0x1B900] =	vst v63  }
0x36: {  	v4 =	vld [tilespmem:s26+$0x80]  }
0x37: {  	v5 =	vld [tilespmem:s26+$0x90]  }
0x38: {  	v11 =	vld [tilespmem:s26+$0xA0]  }
0x39: {  	v12 =	vld [tilespmem:s26+$0xB0]  }
0x3a: {  	v0 =	vld [tilespmem:s26+$0xC0]  }
0x3b: {  	v1 =	vld [tilespmem:s26+$0xD0]  }
0x3c: {  	v6 =	vld [tilespmem:s26+$0x0]  }
0x3d: {  	v7 =	vld [tilespmem:s26+$0x10]  }
0x3e: {  	v9 =	vld [tilespmem:s26+$0x20]  }
0x3f: {  	v10 =	vld [tilespmem:s26+$0x30]  }
0x40: {  	v3 =	vld [tilespmem:s26+$0x40]  }
0x41: {  	v2 =	vld [tilespmem:s26+$0x50]  }
0x42: {  	v8 =	vld [tilespmem:s26+$0xFFFFFF80]  }
0x43: {  	v13 =	vld [tilespmem:s26+$0xFFFFFF90]  }
0x44: {  	v14 =	vld [tilespmem:s26+$0xFFFFFF00]  }
0x45: {  	v15 =	vld [tilespmem:s26+$0xFFFFFF10]  }
0x46: {  	v16 =	vld [tilespmem:s26+$0xFFFFFF20]  }
0x47: {  	v17 =	vld [tilespmem:s26+$0xFFFFFF30]  }
0x48: {  	v18 =	vld [tilespmem:s26+$0xFFFFFFA0]  }
0x49: {  	v19 =	vld [tilespmem:s26+$0xFFFFFFB0]  }
0x4a: {  	v20 =	vimm.f32 $0.0e+00;
	v21 =	vld [tilespmem:s26+$0xFFFFFFC0]  }
0x4b: {  	v22 =	vld [tilespmem:s26+$0xFFFFFFD0];
	v14 =	vadd.f32 v14, v20;
	v15 =	vadd.f32 v15, v20  }
0x4c: {  	v23 =	vld [tilespmem:s26+$0xFFFFFF40];
	v16 =	vadd.f32 v16, v20;
	v17 =	vadd.f32 v17, v20  }
0x4d: {  	v24 =	vld [tilespmem:s26+$0xFFFFFF50];
	v8 =	vadd.f32 v8, v14;
	v13 =	vadd.f32 v13, v15  }
0x4e: {  	v14 =	vld [tilespmem:s26+$0xFFFFFF60];
	v15 =	vadd.f32 v18, v16;
	v16 =	vadd.f32 v19, v17  }
0x4f: {  	v17 =	vld [tilespmem:s26+$0xFFFFFF70];
	v6 =	vadd.f32 v6, v8;
	v13 =	vadd.f32 v7, v13  }
0x50: {  	v8 =	vld [tilespmem:s26+$0xFFFFFFE0];
	v15 =	vadd.f32 v9, v15;
	v16 =	vadd.f32 v10, v16  }
0x51: {  	v10 =	vld [tilespmem:s26+$0xFFFFFFF0];
	v7 =	vadd.f32 v4, v6;
	v6 =	vadd.f32 v5, v13  }
0x52: {  	v9 =	vld [tilespmem:s26+$0x60];
	v5 =	vadd.f32 v11, v15;
	v4 =	vadd.f32 v12, v16  }
0x53: {  	v13 =	vadd.f32 v23, v20;
	v16 =	vadd.f32 v24, v20;
	v12 =	vld [tilespmem:s26+$0x70]  }
0x54: {  	v11 =	vld [tilespmem:s26+$0xE0];
	v15 =	vadd.f32 v14, v20;
	v14 =	vadd.f32 v17, v20  }
0x55: {  	s23 =	simm.s32 $0x1C00;
	s22 =	simm.s32 $0x0;
	v17 =	vadd.f32 v21, v13;
	v16 =	vadd.f32 v22, v16;
	v13 =	vld [tilespmem:s26+$0xF0]  }
.LBB2_3:
0x56: {  	v18 =	vld [tilespmem:s23+$0x80];
	v8 =	vadd.f32 v8, v15;
	v10 =	vadd.f32 v10, v14  }
0x57: {  	v14 =	vld [tilespmem:s23+$0x90];
	v3 =	vadd.f32 v3, v17;
	v2 =	vadd.f32 v2, v16  }
0x58: {  	v15 =	vld [tilespmem:s23+$0xA0];
	v8 =	vadd.f32 v9, v8;
	v9 =	vadd.f32 v12, v10  }
0x59: {  	v12 =	vld [tilespmem:s23+$0xB0];
	v16 =	vadd.f32 v0, v3;
	v17 =	vadd.f32 v1, v2  }
0x5a: {  	v0 =	vld [tilespmem:s23+$0xC0];
	v11 =	vadd.f32 v11, v8;
	v13 =	vadd.f32 v13, v9  }
0x5b: {  	v1 =	vld [tilespmem:s23+$0xD0]  }
0x5c: {  	v8 =	vld [tilespmem:s23+$0x0]  }
0x5d: {  	v9 =	vld [tilespmem:s23+$0x10]  }
0x5e: {  	v10 =	vld [tilespmem:s23+$0x20]  }
0x5f: {  	v19 =	vld [tilespmem:s23+$0x30]  }
0x60: {  	v3 =	vld [tilespmem:s23+$0x40]  }
0x61: {  	v2 =	vld [tilespmem:s23+$0x50]  }
0x62: {  	v20 =	vld [tilespmem:s23+$0xFFFFFF80]  }
0x63: {  	v21 =	vld [tilespmem:s23+$0xFFFFFF90]  }
0x64: {  	v22 =	vld [tilespmem:s23+$0xFFFFFF00]  }
0x65: {  	v23 =	vld [tilespmem:s23+$0xFFFFFF10]  }
0x66: {  	v24 =	vld [tilespmem:s23+$0xFFFFFF20]  }
0x67: {  	v25 =	vld [tilespmem:s23+$0xFFFFFF30]  }
0x68: {  	v26 =	vld [tilespmem:s23+$0xFFFFFFA0]  }
0x69: {  	v27 =	vld [tilespmem:s23+$0xFFFFFFB0]  }
0x6a: {  	v28 =	vld [tilespmem:s23+$0xFFFFFFC0]  }
0x6b: {  	v7 =	vadd.f32 v22, v7;
	v6 =	vadd.f32 v23, v6;
	v22 =	vld [tilespmem:s23+$0xFFFFFFD0]  }
0x6c: {  	v5 =	vadd.f32 v24, v5;
	v4 =	vadd.f32 v25, v4;
	v23 =	vld [tilespmem:s23+$0xFFFFFF40]  }
0x6d: {  	v7 =	vadd.f32 v20, v7;
	v6 =	vadd.f32 v21, v6;
	v24 =	vld [tilespmem:s23+$0xFFFFFF50]  }
0x6e: {  	v5 =	vadd.f32 v26, v5;
	v20 =	vld [tilespmem:s23+$0xFFFFFF60];
	v4 =	vadd.f32 v27, v4  }
0x6f: {  	s22 =	sadd.s32 $0x4, s22;
	v7 =	vadd.f32 v8, v7;
	v6 =	vadd.f32 v9, v6;
	v21 =	vld [tilespmem:s23+$0xFFFFFF70]  }
0x70: {  	p1 =	slt.u32 s22, $0xC4;
	v5 =	vadd.f32 v10, v5;
	v8 =	vld [tilespmem:s23+$0xFFFFFFE0];
	v4 =	vadd.f32 v19, v4  }
.Ltmp0:
0x71: {  	v7 =	vadd.f32 v18, v7;
	v6 =	vadd.f32 v14, v6;
	v10 =	vld [tilespmem:s23+$0xFFFFFFF0];
	(pc) =	sbr.rel @p1 .LBB2_3-.Ltmp0, $4  }
0x72: {  	v5 =	vadd.f32 v15, v5;
	v9 =	vld [tilespmem:s23+$0x60];
	v4 =	vadd.f32 v12, v4  }
0x73: {  	v16 =	vadd.f32 v23, v16;
	v18 =	vadd.f32 v24, v17;
	v12 =	vld [tilespmem:s23+$0x70]  }
0x74: {  	v15 =	vadd.f32 v20, v11;
	v14 =	vadd.f32 v21, v13;
	v11 =	vld [tilespmem:s23+$0xE0]  }
0x75: {  	v17 =	vadd.f32 v28, v16;
	v16 =	vadd.f32 v22, v18;
	v13 =	vld [tilespmem:s23+$0xF0];
	s23 =	sadd.s32 $0x200, s23  }
0x76: {  	s22 =	sshll.u32 s20, $0x9  }
0x77: {  	s22 =	sand.u32 $0x3FFFFE00, s22  }
0x78: {  	v8 =	vadd.f32 v8, v15;
	v3 =	vadd.f32 v3, v17;
	[tilespmem:s22+$0x1A900] =	vst v7  }
0x79: {  	v2 =	vadd.f32 v2, v16;
	v7 =	vadd.f32 v10, v14;
	[tilespmem:s22+$0x1A910] =	vst v6  }
0x7a: {  	v6 =	vadd.f32 v9, v8;
	[tilespmem:s22+$0x1A920] =	vst v5;
	v0 =	vadd.f32 v0, v3  }
0x7b: {  	[tilespmem:s22+$0x1A930] =	vst v4;
	v1 =	vadd.f32 v1, v2;
	v3 =	vadd.f32 v12, v7  }
0x7c: {  	v2 =	vadd.f32 v11, v6;
	[tilespmem:s22+$0x1A940] =	vst v0  }
0x7d: {  	[tilespmem:s22+$0x1A950] =	vst v1;
	v0 =	vadd.f32 v13, v3  }
0x7e: {  	p1 =	seq.s32 s20, $0x7;
	[tilespmem:s22+$0x1A960] =	vst v2  }
0x7f: {  	s23 =	smul.u32 @!p1 $0xC80, s20;
	[tilespmem:s22+$0x1A970] =	vst v0  }
0x80: {  	_ =	swait.ge [sflag:s15], $0x6400  }
0x81: {  	s25 =	simm.s32 @!p1 $0x38;
	s23 =	sshra.s32 @!p1 s23, $0x2;
	[sflag:s15] =	ssyncset.done $0x0  }
0x82: {  	s26 =	simm.s32 @!p1 $0x1900;
	s24 =	sadd.s32 @!p1 $0x320, s23;
	[sflag:s15] =	ssyncadd.s32 $0xFFFF9C00  }
0x83: {  	[tilespmem:s26], [sflag:$0x1] =	stream.indirect.gather @!p1 [hbm4b:s1+s25], $0x80, s24, s25, $0xb8;
	[tilespmem:$0x1B900] =	vst v63  }
0x84: {  	s24 =	sadd.s32 @!p1 $0x358, s23;
	s26 =	simm.s32 @!p1 $0x3500  }
0x85: {  	[tilespmem:s26], [sflag:$0x1] =	stream.indirect.gather @!p1 [hbm4b:s1+s25], $0x80, s24, s25, $0xb8;
	[tilespmem:$0x1B900] =	vst v63  }
0x86: {  	s24 =	sadd.s32 @!p1 $0x390, s23;
	s26 =	simm.s32 @!p1 $0x5100  }
0x87: {  	[tilespmem:s26], [sflag:$0x1] =	stream.indirect.gather @!p1 [hbm4b:s1+s25], $0x80, s24, s25, $0xb8;
	[tilespmem:$0x1B900] =	vst v63  }
0x88: {  	s24 =	sadd.s32 @!p1 $0x3C8, s23;
	s25 =	simm.s32 @!p1 $0x20;
	s26 =	simm.s32 @!p1 $0x6D00  }
0x89: {  	[tilespmem:s26], [sflag:$0x1] =	stream.indirect.gather @!p1 [hbm4b:s1+s25], $0x80, s24, s25, $0xb8;
	[tilespmem:$0x1B900] =	vst v63  }
0x8a: {  	s26 =	simm.s32 $0x7D00  }
0x8b: {  	v4 =	vld [tilespmem:s26+$0x180]  }
0x8c: {  	v5 =	vld [tilespmem:s26+$0x190]  }
0x8d: {  	v11 =	vld [tilespmem:s26+$0x1A0]  }
0x8e: {  	v12 =	vld [tilespmem:s26+$0x1B0]  }
0x8f: {  	v0 =	vld [tilespmem:s26+$0x1C0]  }
0x90: {  	v1 =	vld [tilespmem:s26+$0x1D0]  }
0x91: {  	v6 =	vld [tilespmem:s26+$0x100]  }
0x92: {  	v7 =	vld [tilespmem:s26+$0x110]  }
0x93: {  	v9 =	vld [tilespmem:s26+$0x120]  }
0x94: {  	v10 =	vld [tilespmem:s26+$0x130]  }
0x95: {  	v3 =	vld [tilespmem:s26+$0x140]  }
0x96: {  	v2 =	vld [tilespmem:s26+$0x150]  }
0x97: {  	v8 =	vld [tilespmem:s26+$0x80]  }
0x98: {  	v13 =	vld [tilespmem:s26+$0x90]  }
0x99: {  	v14 =	vld [tilespmem:s26+$0x0]  }
0x9a: {  	v15 =	vld [tilespmem:s26+$0x10]  }
0x9b: {  	v16 =	vld [tilespmem:s26+$0x20]  }
0x9c: {  	v17 =	vld [tilespmem:s26+$0x30]  }
0x9d: {  	v18 =	vld [tilespmem:s26+$0xA0]  }
0x9e: {  	v19 =	vld [tilespmem:s26+$0xB0]  }
0x9f: {  	v20 =	vimm.f32 $0.0e+00;
	v21 =	vld [tilespmem:s26+$0xC0]  }
0xa0: {  	v22 =	vld [tilespmem:s26+$0xD0];
	v14 =	vadd.f32 v14, v20;
	v15 =	vadd.f32 v15, v20  }
0xa1: {  	v23 =	vld [tilespmem:s26+$0x40];
	v16 =	vadd.f32 v16, v20;
	v17 =	vadd.f32 v17, v20  }
0xa2: {  	v24 =	vld [tilespmem:s26+$0x50];
	v8 =	vadd.f32 v8, v14;
	v13 =	vadd.f32 v13, v15  }
0xa3: {  	v14 =	vld [tilespmem:s26+$0x60];
	v15 =	vadd.f32 v18, v16;
	v16 =	vadd.f32 v19, v17  }
0xa4: {  	v17 =	vld [tilespmem:s26+$0x70];
	v6 =	vadd.f32 v6, v8;
	v13 =	vadd.f32 v7, v13  }
0xa5: {  	v8 =	vld [tilespmem:s26+$0xE0];
	v15 =	vadd.f32 v9, v15;
	v16 =	vadd.f32 v10, v16  }
0xa6: {  	v10 =	vld [tilespmem:s26+$0xF0];
	v7 =	vadd.f32 v4, v6;
	v6 =	vadd.f32 v5, v13  }
0xa7: {  	v9 =	vld [tilespmem:s26+$0x160];
	v5 =	vadd.f32 v11, v15;
	v4 =	vadd.f32 v12, v16  }
0xa8: {  	v13 =	vadd.f32 v23, v20;
	v16 =	vadd.f32 v24, v20;
	v12 =	vld [tilespmem:s26+$0x170]  }
0xa9: {  	v11 =	vld [tilespmem:s26+$0x1E0];
	v15 =	vadd.f32 v14, v20;
	v14 =	vadd.f32 v17, v20  }
0xaa: {  	s24 =	simm.s32 $0x0;
	s25 =	simm.s32 $0x7F00;
	v17 =	vadd.f32 v21, v13;
	v16 =	vadd.f32 v22, v16;
	v13 =	vld [tilespmem:s26+$0x1F0]  }
.LBB2_5:
0xab: {  	v18 =	vld [tilespmem:s25+$0x180];
	v8 =	vadd.f32 v8, v15;
	v10 =	vadd.f32 v10, v14  }
0xac: {  	v14 =	vld [tilespmem:s25+$0x190];
	v3 =	vadd.f32 v3, v17;
	v2 =	vadd.f32 v2, v16  }
0xad: {  	v15 =	vld [tilespmem:s25+$0x1A0];
	v8 =	vadd.f32 v9, v8;
	v9 =	vadd.f32 v12, v10  }
0xae: {  	v12 =	vld [tilespmem:s25+$0x1B0];
	v16 =	vadd.f32 v0, v3;
	v17 =	vadd.f32 v1, v2  }
0xaf: {  	v0 =	vld [tilespmem:s25+$0x1C0];
	v11 =	vadd.f32 v11, v8;
	v13 =	vadd.f32 v13, v9  }
0xb0: {  	v1 =	vld [tilespmem:s25+$0x1D0]  }
0xb1: {  	v8 =	vld [tilespmem:s25+$0x100]  }
0xb2: {  	v9 =	vld [tilespmem:s25+$0x110]  }
0xb3: {  	v10 =	vld [tilespmem:s25+$0x120]  }
0xb4: {  	v19 =	vld [tilespmem:s25+$0x130]  }
0xb5: {  	v3 =	vld [tilespmem:s25+$0x140]  }
0xb6: {  	v2 =	vld [tilespmem:s25+$0x150]  }
0xb7: {  	v20 =	vld [tilespmem:s25+$0x80]  }
0xb8: {  	v21 =	vld [tilespmem:s25+$0x90]  }
0xb9: {  	v22 =	vld [tilespmem:s25+$0x0]  }
0xba: {  	v23 =	vld [tilespmem:s25+$0x10]  }
0xbb: {  	v24 =	vld [tilespmem:s25+$0x20]  }
0xbc: {  	v25 =	vld [tilespmem:s25+$0x30]  }
0xbd: {  	v26 =	vld [tilespmem:s25+$0xA0]  }
0xbe: {  	v27 =	vld [tilespmem:s25+$0xB0]  }
0xbf: {  	v28 =	vld [tilespmem:s25+$0xC0]  }
0xc0: {  	v7 =	vadd.f32 v22, v7;
	v6 =	vadd.f32 v23, v6;
	v22 =	vld [tilespmem:s25+$0xD0]  }
0xc1: {  	v5 =	vadd.f32 v24, v5;
	v4 =	vadd.f32 v25, v4;
	v23 =	vld [tilespmem:s25+$0x40]  }
0xc2: {  	v7 =	vadd.f32 v20, v7;
	v6 =	vadd.f32 v21, v6;
	v24 =	vld [tilespmem:s25+$0x50]  }
0xc3: {  	v5 =	vadd.f32 v26, v5;
	v20 =	vld [tilespmem:s25+$0x60];
	v4 =	vadd.f32 v27, v4  }
0xc4: {  	s24 =	sadd.s32 $0x4, s24;
	v7 =	vadd.f32 v8, v7;
	v6 =	vadd.f32 v9, v6;
	v21 =	vld [tilespmem:s25+$0x70]  }
0xc5: {  	p2 =	slt.u32 s24, $0xC4;
	v5 =	vadd.f32 v10, v5;
	v8 =	vld [tilespmem:s25+$0xE0];
	v4 =	vadd.f32 v19, v4  }
.Ltmp1:
0xc6: {  	v7 =	vadd.f32 v18, v7;
	v6 =	vadd.f32 v14, v6;
	v10 =	vld [tilespmem:s25+$0xF0];
	(pc) =	sbr.rel @p2 .LBB2_5-.Ltmp1, $4  }
0xc7: {  	v5 =	vadd.f32 v15, v5;
	v9 =	vld [tilespmem:s25+$0x160];
	v4 =	vadd.f32 v12, v4  }
0xc8: {  	v16 =	vadd.f32 v23, v16;
	v18 =	vadd.f32 v24, v17;
	v12 =	vld [tilespmem:s25+$0x170]  }
0xc9: {  	v15 =	vadd.f32 v20, v11;
	v14 =	vadd.f32 v21, v13;
	v11 =	vld [tilespmem:s25+$0x1E0]  }
0xca: {  	v17 =	vadd.f32 v28, v16;
	v16 =	vadd.f32 v22, v18;
	v13 =	vld [tilespmem:s25+$0x1F0];
	s25 =	sadd.s32 $0x200, s25  }
0xcb: {  	_ = 	snop  }
0xcc: {  	v8 =	vadd.f32 v8, v15;
	[tilespmem:s22+$0x1A980] =	vst v7;
	v3 =	vadd.f32 v3, v17  }
0xcd: {  	v7 =	vadd.f32 v10, v14;
	[tilespmem:s22+$0x1A990] =	vst v6;
	v2 =	vadd.f32 v2, v16  }
0xce: {  	[tilespmem:s22+$0x1A9A0] =	vst v5;
	v6 =	vadd.f32 v9, v8;
	v0 =	vadd.f32 v0, v3  }
0xcf: {  	[tilespmem:s22+$0x1A9B0] =	vst v4;
	v3 =	vadd.f32 v12, v7;
	v1 =	vadd.f32 v1, v2  }
0xd0: {  	v2 =	vadd.f32 v11, v6;
	[tilespmem:s22+$0x1A9C0] =	vst v0  }
0xd1: {  	v0 =	vadd.f32 v13, v3;
	[tilespmem:s22+$0x1A9D0] =	vst v1  }
0xd2: {  	[tilespmem:s22+$0x1A9E0] =	vst v2  }
0xd3: {  	[tilespmem:s22+$0x1A9F0] =	vst v0  }
0xd4: {  	_ =	swait.ge [sflag:s16], $0x6400  }
0xd5: {  	s24 =	sadd.s32 @!p1 $0x3E8, s23;
	[sflag:s16] =	ssyncset.done $0x0  }
0xd6: {  	s25 =	simm.s32 @!p1 $0x38;
	s26 =	simm.s32 @!p1 $0x7D00;
	[sflag:s16] =	ssyncadd.s32 $0xFFFF9C00  }
0xd7: {  	[tilespmem:s26], [sflag:$0x2] =	stream.indirect.gather @!p1 [hbm4b:s1+s25], $0x80, s24, s25, $0xb8;
	[tilespmem:$0x1B900] =	vst v63  }
0xd8: {  	s24 =	sadd.s32 @!p1 $0x420, s23;
	s26 =	simm.s32 @!p1 $0x9900  }
0xd9: {  	[tilespmem:s26], [sflag:$0x2] =	stream.indirect.gather @!p1 [hbm4b:s1+s25], $0x80, s24, s25, $0xb8;
	[tilespmem:$0x1B900] =	vst v63  }
0xda: {  	s24 =	sadd.s32 @!p1 $0x458, s23;
	s26 =	simm.s32 @!p1 $0xB500  }
0xdb: {  	[tilespmem:s26], [sflag:$0x2] =	stream.indirect.gather @!p1 [hbm4b:s1+s25], $0x80, s24, s25, $0xb8;
	[tilespmem:$0x1B900] =	vst v63  }
0xdc: {  	s24 =	sadd.s32 @!p1 $0x490, s23;
	s25 =	simm.s32 @!p1 $0x20;
	s26 =	simm.s32 @!p1 $0xD100  }
0xdd: {  	[tilespmem:s26], [sflag:$0x2] =	stream.indirect.gather @!p1 [hbm4b:s1+s25], $0x80, s24, s25, $0xb8;
	[tilespmem:$0x1B900] =	vst v63  }
0xde: {  	s26 =	simm.s32 $0xE100  }
0xdf: {  	v4 =	vld [tilespmem:s26+$0x180]  }
0xe0: {  	v5 =	vld [tilespmem:s26+$0x190]  }
0xe1: {  	v11 =	vld [tilespmem:s26+$0x1A0]  }
0xe2: {  	v12 =	vld [tilespmem:s26+$0x1B0]  }
0xe3: {  	v0 =	vld [tilespmem:s26+$0x1C0]  }
0xe4: {  	v1 =	vld [tilespmem:s26+$0x1D0]  }
0xe5: {  	v6 =	vld [tilespmem:s26+$0x100]  }
0xe6: {  	v7 =	vld [tilespmem:s26+$0x110]  }
0xe7: {  	v9 =	vld [tilespmem:s26+$0x120]  }
0xe8: {  	v10 =	vld [tilespmem:s26+$0x130]  }
0xe9: {  	v3 =	vld [tilespmem:s26+$0x140]  }
0xea: {  	v2 =	vld [tilespmem:s26+$0x150]  }
0xeb: {  	v8 =	vld [tilespmem:s26+$0x80]  }
0xec: {  	v13 =	vld [tilespmem:s26+$0x90]  }
0xed: {  	v14 =	vld [tilespmem:s26+$0x0]  }
0xee: {  	v15 =	vld [tilespmem:s26+$0x10]  }
0xef: {  	v16 =	vld [tilespmem:s26+$0x20]  }
0xf0: {  	v17 =	vld [tilespmem:s26+$0x30]  }
0xf1: {  	v18 =	vld [tilespmem:s26+$0xA0]  }
0xf2: {  	v19 =	vld [tilespmem:s26+$0xB0]  }
0xf3: {  	v20 =	vimm.f32 $0.0e+00;
	v21 =	vld [tilespmem:s26+$0xC0]  }
0xf4: {  	v22 =	vld [tilespmem:s26+$0xD0];
	v14 =	vadd.f32 v14, v20;
	v15 =	vadd.f32 v15, v20  }
0xf5: {  	v23 =	vld [tilespmem:s26+$0x40];
	v16 =	vadd.f32 v16, v20;
	v17 =	vadd.f32 v17, v20  }
0xf6: {  	v24 =	vld [tilespmem:s26+$0x50];
	v8 =	vadd.f32 v8, v14;
	v13 =	vadd.f32 v13, v15  }
0xf7: {  	v14 =	vld [tilespmem:s26+$0x60];
	v15 =	vadd.f32 v18, v16;
	v16 =	vadd.f32 v19, v17  }
0xf8: {  	v17 =	vld [tilespmem:s26+$0x70];
	v6 =	vadd.f32 v6, v8;
	v13 =	vadd.f32 v7, v13  }
0xf9: {  	v8 =	vld [tilespmem:s26+$0xE0];
	v15 =	vadd.f32 v9, v15;
	v16 =	vadd.f32 v10, v16  }
0xfa: {  	v10 =	vld [tilespmem:s26+$0xF0];
	v7 =	vadd.f32 v4, v6;
	v6 =	vadd.f32 v5, v13  }
0xfb: {  	v9 =	vld [tilespmem:s26+$0x160];
	v5 =	vadd.f32 v11, v15;
	v4 =	vadd.f32 v12, v16  }
0xfc: {  	v13 =	vadd.f32 v23, v20;
	v16 =	vadd.f32 v24, v20;
	v12 =	vld [tilespmem:s26+$0x170]  }
0xfd: {  	v11 =	vld [tilespmem:s26+$0x1E0];
	v15 =	vadd.f32 v14, v20;
	v14 =	vadd.f32 v17, v20  }
0xfe: {  	s24 =	simm.s32 $0x0;
	s25 =	simm.s32 $0xE300;
	v17 =	vadd.f32 v21, v13;
	v16 =	vadd.f32 v22, v16;
	v13 =	vld [tilespmem:s26+$0x1F0]  }
.LBB2_7:
0xff: {  	v18 =	vld [tilespmem:s25+$0x180];
	v8 =	vadd.f32 v8, v15;
	v10 =	vadd.f32 v10, v14  }
0x100: {  	v14 =	vld [tilespmem:s25+$0x190];
	v3 =	vadd.f32 v3, v17;
	v2 =	vadd.f32 v2, v16  }
0x101: {  	v15 =	vld [tilespmem:s25+$0x1A0];
	v8 =	vadd.f32 v9, v8;
	v9 =	vadd.f32 v12, v10  }
0x102: {  	v12 =	vld [tilespmem:s25+$0x1B0];
	v16 =	vadd.f32 v0, v3;
	v17 =	vadd.f32 v1, v2  }
0x103: {  	v0 =	vld [tilespmem:s25+$0x1C0];
	v11 =	vadd.f32 v11, v8;
	v13 =	vadd.f32 v13, v9  }
0x104: {  	v1 =	vld [tilespmem:s25+$0x1D0]  }
0x105: {  	v8 =	vld [tilespmem:s25+$0x100]  }
0x106: {  	v9 =	vld [tilespmem:s25+$0x110]  }
0x107: {  	v10 =	vld [tilespmem:s25+$0x120]  }
0x108: {  	v19 =	vld [tilespmem:s25+$0x130]  }
0x109: {  	v3 =	vld [tilespmem:s25+$0x140]  }
0x10a: {  	v2 =	vld [tilespmem:s25+$0x150]  }
0x10b: {  	v20 =	vld [tilespmem:s25+$0x80]  }
0x10c: {  	v21 =	vld [tilespmem:s25+$0x90]  }
0x10d: {  	v22 =	vld [tilespmem:s25+$0x0]  }
0x10e: {  	v23 =	vld [tilespmem:s25+$0x10]  }
0x10f: {  	v24 =	vld [tilespmem:s25+$0x20]  }
0x110: {  	v25 =	vld [tilespmem:s25+$0x30]  }
0x111: {  	v26 =	vld [tilespmem:s25+$0xA0]  }
0x112: {  	v27 =	vld [tilespmem:s25+$0xB0]  }
0x113: {  	v28 =	vld [tilespmem:s25+$0xC0]  }
0x114: {  	v7 =	vadd.f32 v22, v7;
	v6 =	vadd.f32 v23, v6;
	v22 =	vld [tilespmem:s25+$0xD0]  }
0x115: {  	v5 =	vadd.f32 v24, v5;
	v4 =	vadd.f32 v25, v4;
	v23 =	vld [tilespmem:s25+$0x40]  }
0x116: {  	v7 =	vadd.f32 v20, v7;
	v6 =	vadd.f32 v21, v6;
	v24 =	vld [tilespmem:s25+$0x50]  }
0x117: {  	v5 =	vadd.f32 v26, v5;
	v20 =	vld [tilespmem:s25+$0x60];
	v4 =	vadd.f32 v27, v4  }
0x118: {  	s24 =	sadd.s32 $0x4, s24;
	v7 =	vadd.f32 v8, v7;
	v6 =	vadd.f32 v9, v6;
	v21 =	vld [tilespmem:s25+$0x70]  }
0x119: {  	p2 =	slt.u32 s24, $0xC4;
	v5 =	vadd.f32 v10, v5;
	v8 =	vld [tilespmem:s25+$0xE0];
	v4 =	vadd.f32 v19, v4  }
.Ltmp2:
0x11a: {  	v7 =	vadd.f32 v18, v7;
	v6 =	vadd.f32 v14, v6;
	v10 =	vld [tilespmem:s25+$0xF0];
	(pc) =	sbr.rel @p2 .LBB2_7-.Ltmp2, $4  }
0x11b: {  	v5 =	vadd.f32 v15, v5;
	v9 =	vld [tilespmem:s25+$0x160];
	v4 =	vadd.f32 v12, v4  }
0x11c: {  	v16 =	vadd.f32 v23, v16;
	v18 =	vadd.f32 v24, v17;
	v12 =	vld [tilespmem:s25+$0x170]  }
0x11d: {  	v15 =	vadd.f32 v20, v11;
	v14 =	vadd.f32 v21, v13;
	v11 =	vld [tilespmem:s25+$0x1E0]  }
0x11e: {  	v17 =	vadd.f32 v28, v16;
	v16 =	vadd.f32 v22, v18;
	v13 =	vld [tilespmem:s25+$0x1F0];
	s25 =	sadd.s32 $0x200, s25  }
0x11f: {  	_ = 	snop  }
0x120: {  	v8 =	vadd.f32 v8, v15;
	[tilespmem:s22+$0x1AA00] =	vst v7;
	v3 =	vadd.f32 v3, v17  }
0x121: {  	v7 =	vadd.f32 v10, v14;
	[tilespmem:s22+$0x1AA10] =	vst v6;
	v2 =	vadd.f32 v2, v16  }
0x122: {  	[tilespmem:s22+$0x1AA20] =	vst v5;
	v6 =	vadd.f32 v9, v8;
	v0 =	vadd.f32 v0, v3  }
0x123: {  	[tilespmem:s22+$0x1AA30] =	vst v4;
	v3 =	vadd.f32 v12, v7;
	v1 =	vadd.f32 v1, v2  }
0x124: {  	v2 =	vadd.f32 v11, v6;
	[tilespmem:s22+$0x1AA40] =	vst v0  }
0x125: {  	v0 =	vadd.f32 v13, v3;
	[tilespmem:s22+$0x1AA50] =	vst v1  }
0x126: {  	[tilespmem:s22+$0x1AA60] =	vst v2  }
0x127: {  	[tilespmem:s22+$0x1AA70] =	vst v0  }
0x128: {  	_ =	swait.ge [sflag:s17], $0x6400  }
0x129: {  	s24 =	simm.s32 @!p1 $0x38;
	[sflag:s17] =	ssyncset.done $0x0  }
0x12a: {  	s25 =	simm.s32 @!p1 $0xE100;
	s22 =	sadd.s32 @!p1 $0x4B0, s23;
	[sflag:s17] =	ssyncadd.s32 $0xFFFF9C00  }
0x12b: {  	[tilespmem:s25], [sflag:$0x3] =	stream.indirect.gather @!p1 [hbm4b:s1+s24], $0x80, s22, s24, $0xb8;
	[tilespmem:$0x1B900] =	vst v63  }
0x12c: {  	s22 =	sadd.s32 @!p1 $0x4E8, s23;
	s25 =	simm.s32 @!p1 $0xFD00  }
0x12d: {  	[tilespmem:s25], [sflag:$0x3] =	stream.indirect.gather @!p1 [hbm4b:s1+s24], $0x80, s22, s24, $0xb8;
	[tilespmem:$0x1B900] =	vst v63  }
0x12e: {  	s26 =	simm.s32 $0x14500;
	s22 =	sadd.s32 @!p1 $0x520, s23;
	s25 =	simm.s32 @!p1 $0x11900  }
0x12f: {  	[tilespmem:s25], [sflag:$0x3] =	stream.indirect.gather @!p1 [hbm4b:s1+s24], $0x80, s22, s24, $0xb8;
	[tilespmem:$0x1B900] =	vst v63  }
0x130: {  	s22 =	sadd.s32 @!p1 $0x558, s23;
	s23 =	simm.s32 @!p1 $0x20;
	s24 =	simm.s32 @!p1 $0x13500  }
0x131: {  	[tilespmem:s24], [sflag:$0x3] =	stream.indirect.gather @!p1 [hbm4b:s1+s23], $0x80, s22, s23, $0xb8;
	[tilespmem:$0x1B900] =	vst v63  }
0x132: {  	v4 =	vld [tilespmem:s26+$0x180]  }
0x133: {  	v5 =	vld [tilespmem:s26+$0x190]  }
0x134: {  	v11 =	vld [tilespmem:s26+$0x1A0]  }
0x135: {  	v12 =	vld [tilespmem:s26+$0x1B0]  }
0x136: {  	v0 =	vld [tilespmem:s26+$0x1C0]  }
0x137: {  	v1 =	vld [tilespmem:s26+$0x1D0]  }
0x138: {  	v6 =	vld [tilespmem:s26+$0x100]  }
0x139: {  	v7 =	vld [tilespmem:s26+$0x110]  }
0x13a: {  	v9 =	vld [tilespmem:s26+$0x120]  }
0x13b: {  	v10 =	vld [tilespmem:s26+$0x130]  }
0x13c: {  	v3 =	vld [tilespmem:s26+$0x140]  }
0x13d: {  	v2 =	vld [tilespmem:s26+$0x150]  }
0x13e: {  	v8 =	vld [tilespmem:s26+$0x80]  }
0x13f: {  	v13 =	vld [tilespmem:s26+$0x90]  }
0x140: {  	v14 =	vld [tilespmem:s26+$0x0]  }
0x141: {  	v15 =	vld [tilespmem:s26+$0x10]  }
0x142: {  	v16 =	vld [tilespmem:s26+$0x20]  }
0x143: {  	v17 =	vld [tilespmem:s26+$0x30]  }
0x144: {  	v18 =	vld [tilespmem:s26+$0xA0]  }
0x145: {  	v19 =	vld [tilespmem:s26+$0xB0]  }
0x146: {  	v20 =	vimm.f32 $0.0e+00;
	v21 =	vld [tilespmem:s26+$0xC0]  }
0x147: {  	v22 =	vld [tilespmem:s26+$0xD0];
	v14 =	vadd.f32 v14, v20;
	v15 =	vadd.f32 v15, v20  }
0x148: {  	v23 =	vld [tilespmem:s26+$0x40];
	v16 =	vadd.f32 v16, v20;
	v17 =	vadd.f32 v17, v20  }
0x149: {  	v24 =	vld [tilespmem:s26+$0x50];
	v8 =	vadd.f32 v8, v14;
	v13 =	vadd.f32 v13, v15  }
0x14a: {  	v14 =	vld [tilespmem:s26+$0x60];
	v15 =	vadd.f32 v18, v16;
	v16 =	vadd.f32 v19, v17  }
0x14b: {  	v17 =	vld [tilespmem:s26+$0x70];
	v6 =	vadd.f32 v6, v8;
	v13 =	vadd.f32 v7, v13  }
0x14c: {  	v8 =	vld [tilespmem:s26+$0xE0];
	v15 =	vadd.f32 v9, v15;
	v16 =	vadd.f32 v10, v16  }
0x14d: {  	v10 =	vld [tilespmem:s26+$0xF0];
	v7 =	vadd.f32 v4, v6;
	v6 =	vadd.f32 v5, v13  }
0x14e: {  	v9 =	vld [tilespmem:s26+$0x160];
	v5 =	vadd.f32 v11, v15;
	v4 =	vadd.f32 v12, v16  }
0x14f: {  	v13 =	vadd.f32 v23, v20;
	v16 =	vadd.f32 v24, v20;
	v12 =	vld [tilespmem:s26+$0x170]  }
0x150: {  	v11 =	vld [tilespmem:s26+$0x1E0];
	v15 =	vadd.f32 v14, v20;
	v14 =	vadd.f32 v17, v20  }
0x151: {  	s22 =	simm.s32 $0x0;
	s23 =	simm.s32 $0x14700;
	v17 =	vadd.f32 v21, v13;
	v16 =	vadd.f32 v22, v16;
	v13 =	vld [tilespmem:s26+$0x1F0]  }
.LBB2_9:
0x152: {  	v18 =	vld [tilespmem:s23+$0x180];
	v8 =	vadd.f32 v8, v15;
	v10 =	vadd.f32 v10, v14  }
0x153: {  	v14 =	vld [tilespmem:s23+$0x190];
	v3 =	vadd.f32 v3, v17;
	v2 =	vadd.f32 v2, v16  }
0x154: {  	v15 =	vld [tilespmem:s23+$0x1A0];
	v8 =	vadd.f32 v9, v8;
	v9 =	vadd.f32 v12, v10  }
0x155: {  	v12 =	vld [tilespmem:s23+$0x1B0];
	v16 =	vadd.f32 v0, v3;
	v17 =	vadd.f32 v1, v2  }
0x156: {  	v0 =	vld [tilespmem:s23+$0x1C0];
	v11 =	vadd.f32 v11, v8;
	v13 =	vadd.f32 v13, v9  }
0x157: {  	v1 =	vld [tilespmem:s23+$0x1D0]  }
0x158: {  	v8 =	vld [tilespmem:s23+$0x100]  }
0x159: {  	v9 =	vld [tilespmem:s23+$0x110]  }
0x15a: {  	v10 =	vld [tilespmem:s23+$0x120]  }
0x15b: {  	v19 =	vld [tilespmem:s23+$0x130]  }
0x15c: {  	v3 =	vld [tilespmem:s23+$0x140]  }
0x15d: {  	v2 =	vld [tilespmem:s23+$0x150]  }
0x15e: {  	v20 =	vld [tilespmem:s23+$0x80]  }
0x15f: {  	v21 =	vld [tilespmem:s23+$0x90]  }
0x160: {  	v22 =	vld [tilespmem:s23+$0x0]  }
0x161: {  	v23 =	vld [tilespmem:s23+$0x10]  }
0x162: {  	v24 =	vld [tilespmem:s23+$0x20]  }
0x163: {  	v25 =	vld [tilespmem:s23+$0x30]  }
0x164: {  	v26 =	vld [tilespmem:s23+$0xA0]  }
0x165: {  	v27 =	vld [tilespmem:s23+$0xB0]  }
0x166: {  	v28 =	vld [tilespmem:s23+$0xC0]  }
0x167: {  	v7 =	vadd.f32 v22, v7;
	v6 =	vadd.f32 v23, v6;
	v22 =	vld [tilespmem:s23+$0xD0]  }
0x168: {  	v5 =	vadd.f32 v24, v5;
	v4 =	vadd.f32 v25, v4;
	v23 =	vld [tilespmem:s23+$0x40]  }
0x169: {  	v7 =	vadd.f32 v20, v7;
	v6 =	vadd.f32 v21, v6;
	v24 =	vld [tilespmem:s23+$0x50]  }
0x16a: {  	v5 =	vadd.f32 v26, v5;
	v20 =	vld [tilespmem:s23+$0x60];
	v4 =	vadd.f32 v27, v4  }
0x16b: {  	s22 =	sadd.s32 $0x4, s22;
	v7 =	vadd.f32 v8, v7;
	v6 =	vadd.f32 v9, v6;
	v21 =	vld [tilespmem:s23+$0x70]  }
0x16c: {  	p1 =	slt.u32 s22, $0xC4;
	v5 =	vadd.f32 v10, v5;
	v8 =	vld [tilespmem:s23+$0xE0];
	v4 =	vadd.f32 v19, v4  }
.Ltmp3:
0x16d: {  	v7 =	vadd.f32 v18, v7;
	v6 =	vadd.f32 v14, v6;
	v10 =	vld [tilespmem:s23+$0xF0];
	(pc) =	sbr.rel @p1 .LBB2_9-.Ltmp3, $4  }
0x16e: {  	v5 =	vadd.f32 v15, v5;
	v9 =	vld [tilespmem:s23+$0x160];
	v4 =	vadd.f32 v12, v4  }
0x16f: {  	v16 =	vadd.f32 v23, v16;
	v18 =	vadd.f32 v24, v17;
	v12 =	vld [tilespmem:s23+$0x170]  }
0x170: {  	v15 =	vadd.f32 v20, v11;
	v14 =	vadd.f32 v21, v13;
	v11 =	vld [tilespmem:s23+$0x1E0]  }
0x171: {  	v17 =	vadd.f32 v28, v16;
	v16 =	vadd.f32 v22, v18;
	v13 =	vld [tilespmem:s23+$0x1F0];
	s23 =	sadd.s32 $0x200, s23  }
0x172: {  	s21 =	sshll.u32 s21, $0x7  }
0x173: {  	s21 =	sand.u32 $0x3FFFFF80, s21  }
0x174: {  	v8 =	vadd.f32 v8, v15;
	v3 =	vadd.f32 v3, v17;
	[tilespmem:s21+$0x1A900] =	vst v7  }
0x175: {  	v59 =	vadd.f32 v10, v14;
	s20 =	sadd.s32 $0x1, s20;
	v2 =	vadd.f32 v2, v16;
	[tilespmem:s21+$0x1A910] =	vst v6  }
0x176: {  	p1 =	sne.s32 s20, $0x8;
	v60 =	vadd.f32 v9, v8;
	[tilespmem:s21+$0x1A920] =	vst v5;
	v0 =	vadd.f32 v0, v3  }
.Ltmp4:
0x177: {  	v61 =	vadd.f32 v12, v59;
	[tilespmem:s21+$0x1A930] =	vst v4;
	v1 =	vadd.f32 v1, v2;
	(pc) =	sbr.rel @p1 .LBB2_2-.Ltmp4, $4  }
0x178: {  	v62 =	vadd.f32 v11, v60;
	[tilespmem:s21+$0x1A940] =	vst v0  }
0x179: {  	v63 =	vadd.f32 v13, v61;
	[tilespmem:s21+$0x1A950] =	vst v1  }
0x17a: {  	[tilespmem:s21+$0x1A960] =	vst v62  }
0x17b: {  	[tilespmem:s21+$0x1A970] =	vst v63  }
0x17c: {  	[hbm4b:s6+s4] =	stream.linear.scatter [tilespmem:s18], [sflag:$0x5], $0x1000, $0x38;
	[tilespmem:$0x1B900] =	vst v63  }
0x17d: {  	_ =	swait.ge [sflag:s8], $0x1000  }
0x17e: {  	[sflag:s8] =	ssyncset.done $0x0  }
0x17f: {  	s20 =	simm.s32 @!p0 $0x0;
	s19 =	sadd.s32 $0x1, s19;
	[sflag:s8] =	ssyncadd.s32 $0xFFFFF000  }
0x180: {  	s21 =	simm.s32 @!p0 $0x14500;
	p1 =	sne.s32 s19, s7;
	s22 =	rddreg [dreg:$0x3]  }
0x181: {  	[hbm4b:s22+s20] =	stream.linear.scatter @!p0 [tilespmem:s21], [sflag:$0x5], $0x6400, $0x38;
	[tilespmem:$0x1B900] =	vst v63  }
.Ltmp5:
0x182: {  	_ = 	snop;
	(pc) =	sbr.rel @p1 .LBB2_1-.Ltmp5, $4  }
0x183: {  	s20 =	simm.s32 @!p0 $0x5  }
0x184: {  	_ =	swait.ge @!p0 [sflag:s20], $0x6400  }
0x185: {  	[sflag:s20] =	ssyncset.done @!p0 $0x0  }
0x186: {  	[sflag:s20] =	ssyncadd.s32 @!p0 $0xFFFF9C00  }
0x187: {  	_ =	sfence.sel $0x180000  }
0x188: {  	[bflag:$0x0] =	sbarrier.arrive $0xFFFF  }
0x189: {  	_ =	strace $0x90000047  }
0x18a: {  	s0 =	stileid.u32;
	[bflag:$0x2] =	sbarrier.arrive $0xFFFF  }
0x18b: {  	p0 =	sne.s32 s0, $0x0;
	s0 =	rddreg [dreg:$0x4]  }
0x18c: {  	s0 =	sadd.s32 @!p0 $0x100000, s0  }
0x18d: {  	[sflag:s0] =	ssyncadd.tile.s32 @!p0 $0x1;
	_ =	shalt  }
.Lfunc_end2:
_tile_overlayer_lowered:
.L_overlay_start_2:
0x18e: {  	(tag) =	ssettag $0x2  }
0x18f: {  	s0 =	rddreg [dreg:$0x0];
	s2 =	stileid.u32  }
0x190: {  	s1 =	rddreg [dreg:$0x1];
	p0 =	sne.s32 s2, $0x0  }
0x191: {  	s3 =	rddreg [dreg:$0x2];
	[bflag:$0x3] =	sbarrier.arrive $0xFFFF;
	s2 =	simm.s32 @!p0 $0x1C05  }
0x192: {  	[timem:s3], [sflag:s2] =	dma.local @!p0 [hbm:s0], s1  }
0x193: {  	s0 =	simm.s32 @!p0 $0x5  }
0x194: {  	_ =	swait.ge @!p0 [sflag:s0], s1  }
0x195: {  	s1 =	ssub.s32 @!p0 $0x0, s1;
	[sflag:s0] =	ssyncset.done @!p0 $0x0  }
0x196: {  	[sflag:s0] =	ssyncadd.s32 @!p0 s1  }
0x197: {  	[bflag:$0x3] =	sbarrier.arrive $0xFFFF  }
0x198: {  	_ =	shalt  }

</sc_bundles>
